<compile_context>
chip_gen: v7x
topology: tpu7x:2x2x1
jax: 0.10.2.dev20260603
libtpu: 0.0.44.dev20260713+nightly
codegen_flags: <defaults>
</compile_context>

<pallas_src>
import dataclasses

import jax
import jax.numpy as jnp
from jax import lax
from jax.experimental import pallas as pl
from jax.experimental.pallas import tpu as pltpu
from jax.experimental.pallas import tpu_sc as plsc

N = 10000
NP = 10240
E = 320000
D = 128
NCORE = 2
NSUB = 16
CHUNK = 128
CPT = 79
HALF = CPT // 2
EPT = CPT * CHUNK
EPAD = NCORE * NSUB * EPT
NBUF = 2
DUMP = N + 8

_f32 = jnp.float32
_i32 = jnp.int32


def _mesh():
    return plsc.VectorSubcoreMesh(core_axis_name="c", subcore_axis_name="s")


def _sc_params():
    cp = pltpu.CompilerParams()
    if "needs_layout_passes" in pltpu.CompilerParams.__dataclass_fields__:
        cp = dataclasses.replace(cp, needs_layout_passes=False)
    return cp


def _deg_body(dst_hbm, id_hbm, z_hbm, out_hbm, didx, hist, idb, shist):
    c = lax.axis_index("c")
    s = lax.axis_index("s")
    pltpu.sync_copy(dst_hbm.at[s], didx)
    pltpu.sync_copy(id_hbm, idb)
    pltpu.sync_copy(z_hbm.at[pl.ds(0, 80)], hist)
    pltpu.sync_copy(z_hbm.at[pl.ds(0, 5)], shist.at[pl.ds(s * 5, 5)])
    plsc.subcore_barrier()
    ones = jnp.ones((16,), _f32)

    @pl.loop(0, 2 * CPT)
    def _(j):
        for k in range(CHUNK // 16):
            idxv = didx.at[j, pl.ds(k * 16, 16)][...]
            rowv = lax.shift_right_logical(idxv, 7)
            colv = lax.bitwise_and(idxv, 127)
            plsc.addupdate_scatter(hist, [rowv, colv], ones)

    pltpu.sync_copy(hist, shist.at[idb.at[0]], add=True)
    plsc.subcore_barrier()

    @pl.when(jnp.logical_and(c == 0, s == 0))
    def _():
        pltpu.sync_copy(shist, out_hbm)


def _deg_call(dst16, idrow, zeros128):
    f = pl.kernel(
        _deg_body,
        out_type=jax.ShapeDtypeStruct((80, 128), _f32),
        mesh=_mesh(),
        compiler_params=_sc_params(),
        scratch_types=[
            pltpu.VMEM((2 * CPT, CHUNK), _i32),
            pltpu.VMEM((80, 128), _f32),
            pltpu.VMEM((1, 80), _i32),
            pltpu.VMEM_SHARED((80, 128), _f32),
        ],
    )
    return f(dst16, idrow, zeros128)


def _agg_body(hs_hbm, src_hbm, dst_hbm, z_hbm, out_hbm, sidx, didx,
              gb0, acc):
    gbufs = [gb0]
    c = lax.axis_index("c")
    s = lax.axis_index("s")
    w = c * NSUB + s
    for k in range(5):
        pltpu.sync_copy(z_hbm, acc.at[pl.ds(s * 640 + k * 128, 128)])
    plsc.subcore_barrier()

    pltpu.sync_copy(src_hbm.at[w], sidx)
    pltpu.sync_copy(dst_hbm.at[w], didx)

    @pl.loop(0, CPT)
    def _(j):
        pltpu.sync_copy(hs_hbm.at[sidx.at[j]], gbufs[0])
        pltpu.sync_copy(gbufs[0], acc.at[didx.at[j]], add=True)

    plsc.subcore_barrier()

    @pl.when(c == 0)
    def _():
        pltpu.sync_copy(acc.at[pl.ds(s * 640, 640)], out_hbm.at[0].at[pl.ds(s * 640, 640)])

    @pl.when(c == 1)
    def _():
        pltpu.sync_copy(acc.at[pl.ds(s * 640, 640)], out_hbm.at[1].at[pl.ds(s * 640, 640)])


_AGG_KERNEL = None


def _agg_call(hs, srcp, dstp, zeros128):
    global _AGG_KERNEL
    if _AGG_KERNEL is None:
        _AGG_KERNEL = pl.kernel(
            _agg_body,
            out_type=jax.ShapeDtypeStruct((2, NP, D), _f32),
            mesh=_mesh(),
            scratch_types=[
                pltpu.VMEM((CPT, CHUNK), _i32),
                pltpu.VMEM((CPT, CHUNK), _i32),
                pltpu.VMEM((CHUNK, D), _f32),
                pltpu.VMEM_SHARED((NP, D), _f32),
            ],
        )
    return _AGG_KERNEL(hs, srcp, dstp, zeros128)


_BM = 1024
_GRID = NP // _BM
_DN = (((1,), (1,)), ((), ()))


def _tc1_body(x_ref, w1_ref, hist_ref, hs_ref, self_ref, dinv_ref):
    h1 = lax.dot_general(x_ref[...], w1_ref[...], _DN,
                         preferred_element_type=_f32)
    dinv = lax.rsqrt(hist_ref[...] + 1.0)
    dinv_ref[...] = dinv
    hs_ref[...] = dinv * h1
    self_ref[...] = (dinv * dinv) * h1


def _tc1(xp, W1, hist1):
    return pl.pallas_call(
        _tc1_body,
        grid=(_GRID,),
        in_specs=[
            pl.BlockSpec((_BM, D), lambda i: (i, 0)),
            pl.BlockSpec((D, D), lambda i: (0, 0)),
            pl.BlockSpec((_BM, 1), lambda i: (i, 0)),
        ],
        out_specs=[
            pl.BlockSpec((_BM, D), lambda i: (i, 0)),
            pl.BlockSpec((_BM, D), lambda i: (i, 0)),
            pl.BlockSpec((_BM, 1), lambda i: (i, 0)),
        ],
        out_shape=[
            jax.ShapeDtypeStruct((NP, D), _f32),
            jax.ShapeDtypeStruct((NP, D), _f32),
            jax.ShapeDtypeStruct((NP, 1), _f32),
        ],
    )(xp, W1, hist1)


def _tc2_body(agg_ref, self_ref, dinv_ref, b1_ref, w2_ref, hs2_ref, self2_ref):
    a = agg_ref[...]
    dinv = dinv_ref[...]
    x2 = jnp.maximum(dinv * (a[0] + a[1]) + self_ref[...] + b1_ref[...], 0.0)
    h2 = lax.dot_general(x2, w2_ref[...], _DN, preferred_element_type=_f32)
    hs2_ref[...] = dinv * h2
    self2_ref[...] = (dinv * dinv) * h2


def _tc2(agg1, self1, dinv, b1, W2):
    return pl.pallas_call(
        _tc2_body,
        grid=(_GRID,),
        in_specs=[
            pl.BlockSpec((2, _BM, D), lambda i: (0, i, 0)),
            pl.BlockSpec((_BM, D), lambda i: (i, 0)),
            pl.BlockSpec((_BM, 1), lambda i: (i, 0)),
            pl.BlockSpec((1, D), lambda i: (0, 0)),
            pl.BlockSpec((D, D), lambda i: (0, 0)),
        ],
        out_specs=[
            pl.BlockSpec((_BM, D), lambda i: (i, 0)),
            pl.BlockSpec((_BM, D), lambda i: (i, 0)),
        ],
        out_shape=[
            jax.ShapeDtypeStruct((NP, D), _f32),
            jax.ShapeDtypeStruct((NP, D), _f32),
        ],
    )(agg1, self1, dinv, b1, W2)


def _tc3_body(agg_ref, self2_ref, dinv_ref, b2_ref, wout_ref, bout_ref, out_ref):
    a = agg_ref[...]
    dinv = dinv_ref[...]
    x3 = jnp.maximum(dinv * (a[0] + a[1]) + self2_ref[...] + b2_ref[...], 0.0)
    out_ref[...] = lax.dot_general(x3, wout_ref[...], _DN,
                                   preferred_element_type=_f32) + bout_ref[...]


def _tc3(agg2, self2, dinv, b2, Wout, bout):
    nc = Wout.shape[0]
    return pl.pallas_call(
        _tc3_body,
        grid=(_GRID,),
        in_specs=[
            pl.BlockSpec((2, _BM, D), lambda i: (0, i, 0)),
            pl.BlockSpec((_BM, D), lambda i: (i, 0)),
            pl.BlockSpec((_BM, 1), lambda i: (i, 0)),
            pl.BlockSpec((1, D), lambda i: (0, 0)),
            pl.BlockSpec((nc, D), lambda i: (0, 0)),
            pl.BlockSpec((1, nc), lambda i: (0, 0)),
        ],
        out_specs=pl.BlockSpec((_BM, nc), lambda i: (i, 0)),
        out_shape=jax.ShapeDtypeStruct((NP, nc), _f32),
    )(agg2, self2, dinv, b2, Wout, bout)


@jax.jit
def kernel(x, edge_index, W1, b1, W2, b2, Wout, bout):
    src = edge_index[0].astype(_i32)
    dst = edge_index[1].astype(_i32)
    npad = EPAD - E
    srcp = jnp.concatenate([src, jnp.zeros((npad,), _i32)]).reshape(32, CPT, CHUNK)
    dstp = jnp.concatenate([dst, jnp.full((npad,), DUMP, _i32)]).reshape(32, CPT, CHUNK)
    dst16 = dstp.reshape(16, 2 * CPT, CHUNK)
    zeros128 = jnp.zeros((128, D), _f32)
    idrow = jnp.arange(80, dtype=_i32).reshape(1, 80)
    xp = jnp.pad(x, ((0, NP - N), (0, 0)))

    hist = _deg_call(dst16, idrow, zeros128)
    hist1 = hist.reshape(NP, 1)
    hs1, self1, dinv = _tc1(xp, W1, hist1)
    agg1 = _agg_call(hs1, srcp, dstp, zeros128)
    hs2, self2 = _tc2(agg1, self1, dinv, b1.reshape(1, D), W2)
    agg2 = _agg_call(hs2, srcp, dstp, zeros128)
    out = _tc3(agg2, self2, dinv, b2.reshape(1, D), Wout, bout.reshape(1, -1))
    return out[:N]

# --- scband reference (transcript-rebuilt; emitter-appended) ---
"""Pipeline reference for scband-gm-gcn-13572096655876 (READ-ONLY COPY).

The authoritative reference and input builder live on the scoring server;
editing this copy changes nothing except your own understanding.
"""

import jax, jax.numpy as jnp
import numpy as np

N = 10000
E = 320000
D_IN = 128
HID = 128
N_CLASSES = 16


def setup_inputs(seed: int = 0) -> dict:
    key = jax.random.key(seed)
    ks = jax.random.split(key, 10)
    x = jax.random.normal(ks[0], (N, D_IN), dtype=jnp.float32)
    edge_index = jax.random.randint(ks[1], (2, E), 0, N, dtype=jnp.int64)
    W1 = jax.random.normal(ks[2], (HID, D_IN), dtype=jnp.float32) * (1.0 / np.sqrt(D_IN))
    b1 = jnp.zeros((HID,), dtype=jnp.float32)
    W2 = jax.random.normal(ks[3], (HID, HID), dtype=jnp.float32) * (1.0 / np.sqrt(HID))
    b2 = jnp.zeros((HID,), dtype=jnp.float32)
    Wout = jax.random.normal(ks[4], (N_CLASSES, HID), dtype=jnp.float32) * (1.0 / np.sqrt(HID))
    bout = jnp.zeros((N_CLASSES,), dtype=jnp.float32)
    return {"x": x, "edge_index": edge_index, "W1": W1, "b1": b1, "W2": W2, "b2": b2, "Wout": Wout, "bout": bout}


def _gcn_norm(edge_index, num_nodes):
    # add self loops, edge_weight = ones, deg computed on dst (col), improved=False
    src = edge_index[0]
    dst = edge_index[1]
    loop = jnp.arange(num_nodes, dtype=src.dtype)
    src = jnp.concatenate([src, loop])
    dst = jnp.concatenate([dst, loop])
    w = jnp.ones(src.shape[0], dtype=jnp.float32)
    deg = jax.ops.segment_sum(w, dst, num_segments=num_nodes)
    deg_inv_sqrt = jnp.where(deg > 0, 1.0 / jnp.sqrt(deg), 0.0)
    norm = deg_inv_sqrt[src] * w * deg_inv_sqrt[dst]
    return src, dst, norm


def _gcn_layer(x, src, dst, norm, W, b):
    # x = self.lin(x)  (bias=False inside GCNConv lin)
    x = x @ W.T
    # message: norm[e] * x[src]; aggregate: sum at dst
    msg = norm[:, None] * x[src]
    out = jax.ops.segment_sum(msg, dst, num_segments=x.shape[0])
    return out + b


def reference(x, edge_index, W1, b1, W2, b2, Wout, bout):
    num_nodes = x.shape[0]
    src, dst, norm = _gcn_norm(edge_index, num_nodes)
    # dropout=0 -> identity; message_scales/replacement None -> plain GCN path
    h = _gcn_layer(x, src, dst, norm, W1, b1)
    h = jax.nn.relu(h)
    h = _gcn_layer(h, src, dst, norm, W2, b2)
    h = jax.nn.relu(h)
    # IdenticalPool (node-level readout) then output linear
    out = h @ Wout.T + bout
    return out

if __name__ == "__main__":
    import jax
    _d = setup_inputs()
    print(jax.jit(kernel)(*tuple(_d.values())))

</pallas_src>

<mosaic_0001>
#map = affine_map<(d0, d1) -> (0, 0, 0)>
#map1 = affine_map<(d0, d1) -> (0, 0)>
module attributes {stable_mosaic.version = 14 : i64} {
  func.func @_deg_body(%arg0: i32, %arg1: i32, %arg2: memref<16x158x128xi32, #tpu.memory_space<hbm>>, %arg3: memref<1x80xi32, #tpu.memory_space<hbm>>, %arg4: memref<128x128xf32, #tpu.memory_space<hbm>>, %arg5: memref<80x128xf32, #tpu.memory_space<hbm>>, %arg6: memref<158x128xi32, #tpu.memory_space<vmem>>, %arg7: memref<80x128xf32, #tpu.memory_space<vmem>>, %arg8: memref<1x80xi32, #tpu.memory_space<vmem>>, %arg9: memref<80x128xf32, #tpu.memory_space<vmem_shared>>) attributes {dimension_semantics = [#tpu.dimension_semantics<core_parallel>, #tpu.dimension_semantics<subcore_parallel>], iteration_bounds = array<i64: 2, 16>, scalar_prefetch = 0 : i64, scratch_operands = 4 : i64, tpu.core_type = #tpu.core_type<sc_vector_subcore>, window_params = [{transform_indices = #map}, {transform_indices = #map1}, {transform_indices = #map1}, {transform_indices = #map1}]} {
    "tpu.region"() ({
      %run_scoped3A_11 = tpu.sem_alloc : memref<!tpu.dma_semaphore, #tpu.memory_space<semaphore_mem>>
      %dma_start3A = arith.constant 0 : i32
      %dma_start3A_12 = arith.constant 0 : i32
      %dma_start3A_13 = tpu.memref_slice %arg2[%arg1, %dma_start3A, %dma_start3A_12] : memref<16x158x128xi32, #tpu.memory_space<hbm>> -> memref<1x158x128xi32, #tpu.memory_space<hbm>>
      %dma_start3A_14 = tpu.memref_squeeze %dma_start3A_13 : memref<1x158x128xi32, #tpu.memory_space<hbm>> -> memref<158x128xi32, #tpu.memory_space<hbm>>
      %dma_start3A_15 = arith.constant 0 : i32
      %dma_start3A_16 = arith.constant 0 : i32
      %dma_start3A_17 = tpu.memref_slice %arg2[%arg1, %dma_start3A_15, %dma_start3A_16] : memref<16x158x128xi32, #tpu.memory_space<hbm>> -> memref<1x158x128xi32, #tpu.memory_space<hbm>>
      %dma_start3A_18 = tpu.memref_squeeze %dma_start3A_17 : memref<1x158x128xi32, #tpu.memory_space<hbm>> -> memref<158x128xi32, #tpu.memory_space<hbm>>
      tpu.enqueue_dma source(%dma_start3A_18 : memref<158x128xi32, #tpu.memory_space<hbm>>) target(%arg6 : memref<158x128xi32, #tpu.memory_space<vmem>>) target_semaphore(%run_scoped3A_11 : memref<!tpu.dma_semaphore, #tpu.memory_space<semaphore_mem>>)
      %dma_wait3A = arith.constant 0 : i32
      %dma_wait3A_19 = arith.constant 0 : i32
      %dma_wait3A_20 = tpu.memref_slice %arg2[%arg1, %dma_wait3A, %dma_wait3A_19] : memref<16x158x128xi32, #tpu.memory_space<hbm>> -> memref<1x158x128xi32, #tpu.memory_space<hbm>>
      %dma_wait3A_21 = tpu.memref_squeeze %dma_wait3A_20 : memref<1x158x128xi32, #tpu.memory_space<hbm>> -> memref<158x128xi32, #tpu.memory_space<hbm>>
      %dma_wait3A_22 = arith.constant 0 : i32
      %dma_wait3A_23 = arith.constant 0 : i32
      %dma_wait3A_24 = tpu.memref_slice %arg2[%arg1, %dma_wait3A_22, %dma_wait3A_23] : memref<16x158x128xi32, #tpu.memory_space<hbm>> -> memref<1x158x128xi32, #tpu.memory_space<hbm>>
      %dma_wait3A_25 = tpu.memref_squeeze %dma_wait3A_24 : memref<1x158x128xi32, #tpu.memory_space<hbm>> -> memref<158x128xi32, #tpu.memory_space<hbm>>
      tpu.wait_dma2 semaphore(%run_scoped3A_11 : memref<!tpu.dma_semaphore, #tpu.memory_space<semaphore_mem>>) src(%dma_wait3A_25 : memref<158x128xi32, #tpu.memory_space<hbm>>) dst(%arg6 : memref<158x128xi32, #tpu.memory_space<vmem>>)
      tpu.yield
    }) : () -> ()
    "tpu.region"() ({
      %run_scoped3A_11 = tpu.sem_alloc : memref<!tpu.dma_semaphore, #tpu.memory_space<semaphore_mem>>
      tpu.enqueue_dma source(%arg3 : memref<1x80xi32, #tpu.memory_space<hbm>>) target(%arg8 : memref<1x80xi32, #tpu.memory_space<vmem>>) target_semaphore(%run_scoped3A_11 : memref<!tpu.dma_semaphore, #tpu.memory_space<semaphore_mem>>)
      tpu.wait_dma2 semaphore(%run_scoped3A_11 : memref<!tpu.dma_semaphore, #tpu.memory_space<semaphore_mem>>) src(%arg3 : memref<1x80xi32, #tpu.memory_space<hbm>>) dst(%arg8 : memref<1x80xi32, #tpu.memory_space<vmem>>)
      tpu.yield
    }) : () -> ()
    "tpu.region"() ({
      %run_scoped3A_11 = tpu.sem_alloc : memref<!tpu.dma_semaphore, #tpu.memory_space<semaphore_mem>>
      %dma_start3A = arith.constant 0 : i32
      %dma_start3A_12 = arith.constant 0 : i32
      %dma_start3A_13 = tpu.memref_slice %arg4[%dma_start3A, %dma_start3A_12] : memref<128x128xf32, #tpu.memory_space<hbm>> -> memref<80x128xf32, #tpu.memory_space<hbm>>
      %dma_start3A_14 = arith.constant 0 : i32
      %dma_start3A_15 = arith.constant 0 : i32
      %dma_start3A_16 = tpu.memref_slice %arg4[%dma_start3A_14, %dma_start3A_15] : memref<128x128xf32, #tpu.memory_space<hbm>> -> memref<80x128xf32, #tpu.memory_space<hbm>>
      tpu.enqueue_dma source(%dma_start3A_16 : memref<80x128xf32, #tpu.memory_space<hbm>>) target(%arg7 : memref<80x128xf32, #tpu.memory_space<vmem>>) target_semaphore(%run_scoped3A_11 : memref<!tpu.dma_semaphore, #tpu.memory_space<semaphore_mem>>)
      %dma_wait3A = arith.constant 0 : i32
      %dma_wait3A_17 = arith.constant 0 : i32
      %dma_wait3A_18 = tpu.memref_slice %arg4[%dma_wait3A, %dma_wait3A_17] : memref<128x128xf32, #tpu.memory_space<hbm>> -> memref<80x128xf32, #tpu.memory_space<hbm>>
      %dma_wait3A_19 = arith.constant 0 : i32
      %dma_wait3A_20 = arith.constant 0 : i32
      %dma_wait3A_21 = tpu.memref_slice %arg4[%dma_wait3A_19, %dma_wait3A_20] : memref<128x128xf32, #tpu.memory_space<hbm>> -> memref<80x128xf32, #tpu.memory_space<hbm>>
      tpu.wait_dma2 semaphore(%run_scoped3A_11 : memref<!tpu.dma_semaphore, #tpu.memory_space<semaphore_mem>>) src(%dma_wait3A_21 : memref<80x128xf32, #tpu.memory_space<hbm>>) dst(%arg7 : memref<80x128xf32, #tpu.memory_space<vmem>>)
      tpu.yield
    }) : () -> ()
    %mul3A = arith.constant 5 : i32
    %mul3A_0 = arith.muli %arg1, %mul3A : i32
    "tpu.region"() ({
      %run_scoped3A_11 = tpu.sem_alloc : memref<!tpu.dma_semaphore, #tpu.memory_space<semaphore_mem>>
      %dma_start3A = arith.constant 0 : i32
      %dma_start3A_12 = tpu.memref_slice %arg9[%mul3A_0, %dma_start3A] : memref<80x128xf32, #tpu.memory_space<vmem_shared>> -> memref<5x128xf32, #tpu.memory_space<vmem_shared>>
      %dma_start3A_13 = arith.constant 0 : i32
      %dma_start3A_14 = arith.constant 0 : i32
      %dma_start3A_15 = tpu.memref_slice %arg4[%dma_start3A_13, %dma_start3A_14] : memref<128x128xf32, #tpu.memory_space<hbm>> -> memref<5x128xf32, #tpu.memory_space<hbm>>
      tpu.enqueue_dma source(%dma_start3A_15 : memref<5x128xf32, #tpu.memory_space<hbm>>) target(%dma_start3A_12 : memref<5x128xf32, #tpu.memory_space<vmem_shared>>) target_semaphore(%run_scoped3A_11 : memref<!tpu.dma_semaphore, #tpu.memory_space<semaphore_mem>>)
      %dma_wait3A = arith.constant 0 : i32
      %dma_wait3A_16 = tpu.memref_slice %arg9[%mul3A_0, %dma_wait3A] : memref<80x128xf32, #tpu.memory_space<vmem_shared>> -> memref<5x128xf32, #tpu.memory_space<vmem_shared>>
      %dma_wait3A_17 = arith.constant 0 : i32
      %dma_wait3A_18 = arith.constant 0 : i32
      %dma_wait3A_19 = tpu.memref_slice %arg4[%dma_wait3A_17, %dma_wait3A_18] : memref<128x128xf32, #tpu.memory_space<hbm>> -> memref<5x128xf32, #tpu.memory_space<hbm>>
      tpu.wait_dma2 semaphore(%run_scoped3A_11 : memref<!tpu.dma_semaphore, #tpu.memory_space<semaphore_mem>>) src(%dma_wait3A_19 : memref<5x128xf32, #tpu.memory_space<hbm>>) dst(%dma_wait3A_16 : memref<5x128xf32, #tpu.memory_space<vmem_shared>>)
      tpu.yield
    }) : () -> ()
    %barrier3A = arith.constant 0 : index
    tpu.barrier barrier_id(%barrier3A)
    %broadcast_in_dim3A = arith.constant 1.000000e+00 : f32
    %broadcast_in_dim3A_1 = vector.broadcast %broadcast_in_dim3A : f32 to vector<16xf32>
    %scan3A = arith.constant 0 : i32
    %scan3A_2 = arith.constant 158 : i32
    %scan3A_3 = arith.addi %scan3A, %scan3A_2 : i32
    %scan3A_4 = arith.constant 1 : i32
    scf.for %scan3A_11 = %scan3A to %scan3A_3 step %scan3A_4  : i32 {
      %mul3A_12 = arith.constant 1 : i32
      %mul3A_13 = arith.muli %scan3A_11, %mul3A_12 : i32
      %add3A = arith.constant 0 : i32
      %add3A_14 = arith.addi %add3A, %mul3A_13 : i32
      %get3A = arith.index_cast %add3A_14 : i32 to index
      %get3A_15 = arith.constant 0 : index
      %get3A_16 = tpu.vector_load %arg6[%get3A, %get3A_15] {strides = array<i32>} : memref<158x128xi32, #tpu.memory_space<vmem>>, vector<16xi32>,
      %shift_right_logical3A = arith.constant 7 : i32
      %shift_right_logical3A_17 = vector.broadcast %shift_right_logical3A : i32 to vector<16xi32>
      %shift_right_logical3A_18 = arith.shrui %get3A_16, %shift_right_logical3A_17 : vector<16xi32>
      %and3A_19 = arith.constant 127 : i32
      %and3A_20 = vector.broadcast %and3A_19 : i32 to vector<16xi32>
      %and3A_21 = arith.andi %get3A_16, %and3A_20 : vector<16xi32>
      tpu.vector_store_idx %arg7[%shift_right_logical3A_18, %and3A_21], %broadcast_in_dim3A_1 {add = true} : memref<80x128xf32, #tpu.memory_space<vmem>>[vector<16xi32>, vector<16xi32>], vector<16xf32>,
      %get3A_22 = arith.index_cast %add3A_14 : i32 to index
      %get3A_23 = arith.constant 16 : index
      %get3A_24 = tpu.vector_load %arg6[%get3A_22, %get3A_23] {strides = array<i32>} : memref<158x128xi32, #tpu.memory_space<vmem>>, vector<16xi32>,
      %shift_right_logical3A_25 = arith.constant 7 : i32
      %shift_right_logical3A_26 = vector.broadcast %shift_right_logical3A_25 : i32 to vector<16xi32>
      %shift_right_logical3A_27 = arith.shrui %get3A_24, %shift_right_logical3A_26 : vector<16xi32>
      %and3A_28 = arith.constant 127 : i32
      %and3A_29 = vector.broadcast %and3A_28 : i32 to vector<16xi32>
      %and3A_30 = arith.andi %get3A_24, %and3A_29 : vector<16xi32>
      tpu.vector_store_idx %arg7[%shift_right_logical3A_27, %and3A_30], %broadcast_in_dim3A_1 {add = true} : memref<80x128xf32, #tpu.memory_space<vmem>>[vector<16xi32>, vector<16xi32>], vector<16xf32>,
      %get3A_31 = arith.index_cast %add3A_14 : i32 to index
      %get3A_32 = arith.constant 32 : index
      %get3A_33 = tpu.vector_load %arg6[%get3A_31, %get3A_32] {strides = array<i32>} : memref<158x128xi32, #tpu.memory_space<vmem>>, vector<16xi32>,
      %shift_right_logical3A_34 = arith.constant 7 : i32
      %shift_right_logical3A_35 = vector.broadcast %shift_right_logical3A_34 : i32 to vector<16xi32>
      %shift_right_logical3A_36 = arith.shrui %get3A_33, %shift_right_logical3A_35 : vector<16xi32>
      %and3A_37 = arith.constant 127 : i32
      %and3A_38 = vector.broadcast %and3A_37 : i32 to vector<16xi32>
      %and3A_39 = arith.andi %get3A_33, %and3A_38 : vector<16xi32>
      tpu.vector_store_idx %arg7[%shift_right_logical3A_36, %and3A_39], %broadcast_in_dim3A_1 {add = true} : memref<80x128xf32, #tpu.memory_space<vmem>>[vector<16xi32>, vector<16xi32>], vector<16xf32>,
      %get3A_40 = arith.index_cast %add3A_14 : i32 to index
      %get3A_41 = arith.constant 48 : index
      %get3A_42 = tpu.vector_load %arg6[%get3A_40, %get3A_41] {strides = array<i32>} : memref<158x128xi32, #tpu.memory_space<vmem>>, vector<16xi32>,
      %shift_right_logical3A_43 = arith.constant 7 : i32
      %shift_right_logical3A_44 = vector.broadcast %shift_right_logical3A_43 : i32 to vector<16xi32>
      %shift_right_logical3A_45 = arith.shrui %get3A_42, %shift_right_logical3A_44 : vector<16xi32>
      %and3A_46 = arith.constant 127 : i32
      %and3A_47 = vector.broadcast %and3A_46 : i32 to vector<16xi32>
      %and3A_48 = arith.andi %get3A_42, %and3A_47 : vector<16xi32>
      tpu.vector_store_idx %arg7[%shift_right_logical3A_45, %and3A_48], %broadcast_in_dim3A_1 {add = true} : memref<80x128xf32, #tpu.memory_space<vmem>>[vector<16xi32>, vector<16xi32>], vector<16xf32>,
      %get3A_49 = arith.index_cast %add3A_14 : i32 to index
      %get3A_50 = arith.constant 64 : index
      %get3A_51 = tpu.vector_load %arg6[%get3A_49, %get3A_50] {strides = array<i32>} : memref<158x128xi32, #tpu.memory_space<vmem>>, vector<16xi32>,
      %shift_right_logical3A_52 = arith.constant 7 : i32
      %shift_right_logical3A_53 = vector.broadcast %shift_right_logical3A_52 : i32 to vector<16xi32>
      %shift_right_logical3A_54 = arith.shrui %get3A_51, %shift_right_logical3A_53 : vector<16xi32>
      %and3A_55 = arith.constant 127 : i32
      %and3A_56 = vector.broadcast %and3A_55 : i32 to vector<16xi32>
      %and3A_57 = arith.andi %get3A_51, %and3A_56 : vector<16xi32>
      tpu.vector_store_idx %arg7[%shift_right_logical3A_54, %and3A_57], %broadcast_in_dim3A_1 {add = true} : memref<80x128xf32, #tpu.memory_space<vmem>>[vector<16xi32>, vector<16xi32>], vector<16xf32>,
      %get3A_58 = arith.index_cast %add3A_14 : i32 to index
      %get3A_59 = arith.constant 80 : index
      %get3A_60 = tpu.vector_load %arg6[%get3A_58, %get3A_59] {strides = array<i32>} : memref<158x128xi32, #tpu.memory_space<vmem>>, vector<16xi32>,
      %shift_right_logical3A_61 = arith.constant 7 : i32
      %shift_right_logical3A_62 = vector.broadcast %shift_right_logical3A_61 : i32 to vector<16xi32>
      %shift_right_logical3A_63 = arith.shrui %get3A_60, %shift_right_logical3A_62 : vector<16xi32>
      %and3A_64 = arith.constant 127 : i32
      %and3A_65 = vector.broadcast %and3A_64 : i32 to vector<16xi32>
      %and3A_66 = arith.andi %get3A_60, %and3A_65 : vector<16xi32>
      tpu.vector_store_idx %arg7[%shift_right_logical3A_63, %and3A_66], %broadcast_in_dim3A_1 {add = true} : memref<80x128xf32, #tpu.memory_space<vmem>>[vector<16xi32>, vector<16xi32>], vector<16xf32>,
      %get3A_67 = arith.index_cast %add3A_14 : i32 to index
      %get3A_68 = arith.constant 96 : index
      %get3A_69 = tpu.vector_load %arg6[%get3A_67, %get3A_68] {strides = array<i32>} : memref<158x128xi32, #tpu.memory_space<vmem>>, vector<16xi32>,
      %shift_right_logical3A_70 = arith.constant 7 : i32
      %shift_right_logical3A_71 = vector.broadcast %shift_right_logical3A_70 : i32 to vector<16xi32>
      %shift_right_logical3A_72 = arith.shrui %get3A_69, %shift_right_logical3A_71 : vector<16xi32>
      %and3A_73 = arith.constant 127 : i32
      %and3A_74 = vector.broadcast %and3A_73 : i32 to vector<16xi32>
      %and3A_75 = arith.andi %get3A_69, %and3A_74 : vector<16xi32>
      tpu.vector_store_idx %arg7[%shift_right_logical3A_72, %and3A_75], %broadcast_in_dim3A_1 {add = true} : memref<80x128xf32, #tpu.memory_space<vmem>>[vector<16xi32>, vector<16xi32>], vector<16xf32>,
      %get3A_76 = arith.index_cast %add3A_14 : i32 to index
      %get3A_77 = arith.constant 112 : index
      %get3A_78 = tpu.vector_load %arg6[%get3A_76, %get3A_77] {strides = array<i32>} : memref<158x128xi32, #tpu.memory_space<vmem>>, vector<16xi32>,
      %shift_right_logical3A_79 = arith.constant 7 : i32
      %shift_right_logical3A_80 = vector.broadcast %shift_right_logical3A_79 : i32 to vector<16xi32>
      %shift_right_logical3A_81 = arith.shrui %get3A_78, %shift_right_logical3A_80 : vector<16xi32>
      %and3A_82 = arith.constant 127 : i32
      %and3A_83 = vector.broadcast %and3A_82 : i32 to vector<16xi32>
      %and3A_84 = arith.andi %get3A_78, %and3A_83 : vector<16xi32>
      tpu.vector_store_idx %arg7[%shift_right_logical3A_81, %and3A_84], %broadcast_in_dim3A_1 {add = true} : memref<80x128xf32, #tpu.memory_space<vmem>>[vector<16xi32>, vector<16xi32>], vector<16xf32>,
    }
    %scan3A_5 = arith.constant 158 : i32
    %run_scoped3A = arith.constant 0 : i32
    "tpu.region"() ({
      %run_scoped3A_11 = tpu.sem_alloc : memref<!tpu.dma_semaphore, #tpu.memory_space<semaphore_mem>>
      %dma_start3A = arith.constant 0 : i32
      %dma_start3A_12 = tpu.memref_slice %arg8[%run_scoped3A, %dma_start3A] : memref<1x80xi32, #tpu.memory_space<vmem>> -> memref<1x80xi32, #tpu.memory_space<vmem>>
      %dma_start3A_13 = tpu.memref_squeeze %dma_start3A_12 : memref<1x80xi32, #tpu.memory_space<vmem>> -> memref<80xi32, #tpu.memory_space<vmem>>
      %dma_start3A_14 = arith.constant 0 : i32
      %dma_start3A_15 = arith.constant 0 : i32
      %dma_start3A_16 = tpu.memref_slice %arg9[%dma_start3A_14, %dma_start3A_15] : memref<80x128xf32, #tpu.memory_space<vmem_shared>> -> memref<80x128xf32, #tpu.memory_space<vmem_shared>>
      tpu.enqueue_indirect_dma source(%arg7 : memref<80x128xf32, #tpu.memory_space<vmem>>) target(%dma_start3A_16 : memref<80x128xf32, #tpu.memory_space<vmem_shared>>) offsets(%dma_start3A_13 : memref<80xi32, #tpu.memory_space<vmem>>) semaphore(%run_scoped3A_11 : memref<!tpu.dma_semaphore, #tpu.memory_space<semaphore_mem>>) {add = true}
      %dma_wait3A = arith.constant 0 : i32
      %dma_wait3A_17 = tpu.memref_slice %arg8[%run_scoped3A, %dma_wait3A] : memref<1x80xi32, #tpu.memory_space<vmem>> -> memref<1x80xi32, #tpu.memory_space<vmem>>
      %dma_wait3A_18 = tpu.memref_squeeze %dma_wait3A_17 : memref<1x80xi32, #tpu.memory_space<vmem>> -> memref<80xi32, #tpu.memory_space<vmem>>
      %dma_wait3A_19 = arith.constant 0 : i32
      %dma_wait3A_20 = arith.constant 0 : i32
      %dma_wait3A_21 = tpu.memref_slice %arg9[%dma_wait3A_19, %dma_wait3A_20] : memref<80x128xf32, #tpu.memory_space<vmem_shared>> -> memref<80x128xf32, #tpu.memory_space<vmem_shared>>
      tpu.wait_indirect_dma semaphore(%run_scoped3A_11 : memref<!tpu.dma_semaphore, #tpu.memory_space<semaphore_mem>>) src(%arg7 : memref<80x128xf32, #tpu.memory_space<vmem>>) dst(%dma_wait3A_21 : memref<80x128xf32, #tpu.memory_space<vmem_shared>>)
      tpu.yield
    }) : () -> ()
    %barrier3A_6 = arith.constant 0 : index
    tpu.barrier barrier_id(%barrier3A_6)
    %eq3A = arith.constant 0 : i32
    %eq3A_7 = arith.cmpi eq, %arg0, %eq3A : i32
    %eq3A_8 = arith.constant 0 : i32
    %eq3A_9 = arith.cmpi eq, %arg1, %eq3A_8 : i32
    %and3A = arith.andi %eq3A_7, %eq3A_9 : i1
    %convert_element_type3A = arith.extui %and3A : i1 to i32
    %cond3A = arith.constant 0 : i32
    %cond3A_10 = arith.cmpi ne, %convert_element_type3A, %cond3A : i32
    scf.if %cond3A_10 {
      "tpu.region"() ({
        %run_scoped3A_11 = tpu.sem_alloc : memref<!tpu.dma_semaphore, #tpu.memory_space<semaphore_mem>>
        tpu.enqueue_dma source(%arg9 : memref<80x128xf32, #tpu.memory_space<vmem_shared>>) target(%arg5 : memref<80x128xf32, #tpu.memory_space<hbm>>) target_semaphore(%run_scoped3A_11 : memref<!tpu.dma_semaphore, #tpu.memory_space<semaphore_mem>>)
        tpu.wait_dma2 semaphore(%run_scoped3A_11 : memref<!tpu.dma_semaphore, #tpu.memory_space<semaphore_mem>>) src(%arg9 : memref<80x128xf32, #tpu.memory_space<vmem_shared>>) dst(%arg5 : memref<80x128xf32, #tpu.memory_space<hbm>>)
        tpu.yield
      }) : () -> ()
    } else {
    }
    return
  }
}

#map = affine_map<(d0, d1) -> (0, 0)>
#map1 = affine_map<(d0, d1) -> (0, 0, 0)>
module attributes {stable_mosaic.version = 14 : i64} {
  func.func @_agg_body(%arg0: i32, %arg1: i32, %arg2: memref<10240x128xf32, #tpu.memory_space<hbm>>, %arg3: memref<32x79x128xi32, #tpu.memory_space<hbm>>, %arg4: memref<32x79x128xi32, #tpu.memory_space<hbm>>, %arg5: memref<128x128xf32, #tpu.memory_space<hbm>>, %arg6: memref<2x10240x128xf32, #tpu.memory_space<hbm>>, %arg7: memref<79x128xi32, #tpu.memory_space<vmem>>, %arg8: memref<79x128xi32, #tpu.memory_space<vmem>>, %arg9: memref<128x128xf32, #tpu.memory_space<vmem>>, %arg10: memref<10240x128xf32, #tpu.memory_space<vmem_shared>>) attributes {dimension_semantics = [#tpu.dimension_semantics<core_parallel>, #tpu.dimension_semantics<subcore_parallel>], iteration_bounds = array<i64: 2, 16>, scalar_prefetch = 0 : i64, scratch_operands = 4 : i64, tpu.core_type = #tpu.core_type<sc_vector_subcore>, window_params = [{transform_indices = #map}, {transform_indices = #map1}, {transform_indices = #map1}, {transform_indices = #map}, {transform_indices = #map1}]} {
    %mul3A = arith.constant 16 : i32
    %mul3A_0 = arith.muli %arg0, %mul3A : i32
    %add3A = arith.addi %mul3A_0, %arg1 : i32
    %mul3A_1 = arith.constant 640 : i32
    %mul3A_2 = arith.muli %arg1, %mul3A_1 : i32
    %add3A_3 = arith.constant 0 : i32
    %add3A_4 = arith.addi %mul3A_2, %add3A_3 : i32
    "tpu.region"() ({
      %run_scoped3A = tpu.sem_alloc : memref<!tpu.dma_semaphore, #tpu.memory_space<semaphore_mem>>
      %dma_start3A = arith.constant 0 : i32
      %dma_start3A_33 = tpu.memref_slice %arg10[%add3A_4, %dma_start3A] : memref<10240x128xf32, #tpu.memory_space<vmem_shared>> -> memref<128x128xf32, #tpu.memory_space<vmem_shared>>
      tpu.enqueue_dma source(%arg5 : memref<128x128xf32, #tpu.memory_space<hbm>>) target(%dma_start3A_33 : memref<128x128xf32, #tpu.memory_space<vmem_shared>>) target_semaphore(%run_scoped3A : memref<!tpu.dma_semaphore, #tpu.memory_space<semaphore_mem>>)
      %dma_wait3A = arith.constant 0 : i32
      %dma_wait3A_34 = tpu.memref_slice %arg10[%add3A_4, %dma_wait3A] : memref<10240x128xf32, #tpu.memory_space<vmem_shared>> -> memref<128x128xf32, #tpu.memory_space<vmem_shared>>
      tpu.wait_dma2 semaphore(%run_scoped3A : memref<!tpu.dma_semaphore, #tpu.memory_space<semaphore_mem>>) src(%arg5 : memref<128x128xf32, #tpu.memory_space<hbm>>) dst(%dma_wait3A_34 : memref<128x128xf32, #tpu.memory_space<vmem_shared>>)
      tpu.yield
    }) : () -> ()
    %mul3A_5 = arith.constant 640 : i32
    %mul3A_6 = arith.muli %arg1, %mul3A_5 : i32
    %add3A_7 = arith.constant 128 : i32
    %add3A_8 = arith.addi %mul3A_6, %add3A_7 : i32
    "tpu.region"() ({
      %run_scoped3A = tpu.sem_alloc : memref<!tpu.dma_semaphore, #tpu.memory_space<semaphore_mem>>
      %dma_start3A = arith.constant 0 : i32
      %dma_start3A_33 = tpu.memref_slice %arg10[%add3A_8, %dma_start3A] : memref<10240x128xf32, #tpu.memory_space<vmem_shared>> -> memref<128x128xf32, #tpu.memory_space<vmem_shared>>
      tpu.enqueue_dma source(%arg5 : memref<128x128xf32, #tpu.memory_space<hbm>>) target(%dma_start3A_33 : memref<128x128xf32, #tpu.memory_space<vmem_shared>>) target_semaphore(%run_scoped3A : memref<!tpu.dma_semaphore, #tpu.memory_space<semaphore_mem>>)
      %dma_wait3A = arith.constant 0 : i32
      %dma_wait3A_34 = tpu.memref_slice %arg10[%add3A_8, %dma_wait3A] : memref<10240x128xf32, #tpu.memory_space<vmem_shared>> -> memref<128x128xf32, #tpu.memory_space<vmem_shared>>
      tpu.wait_dma2 semaphore(%run_scoped3A : memref<!tpu.dma_semaphore, #tpu.memory_space<semaphore_mem>>) src(%arg5 : memref<128x128xf32, #tpu.memory_space<hbm>>) dst(%dma_wait3A_34 : memref<128x128xf32, #tpu.memory_space<vmem_shared>>)
      tpu.yield
    }) : () -> ()
    %mul3A_9 = arith.constant 640 : i32
    %mul3A_10 = arith.muli %arg1, %mul3A_9 : i32
    %add3A_11 = arith.constant 256 : i32
    %add3A_12 = arith.addi %mul3A_10, %add3A_11 : i32
    "tpu.region"() ({
      %run_scoped3A = tpu.sem_alloc : memref<!tpu.dma_semaphore, #tpu.memory_space<semaphore_mem>>
      %dma_start3A = arith.constant 0 : i32
      %dma_start3A_33 = tpu.memref_slice %arg10[%add3A_12, %dma_start3A] : memref<10240x128xf32, #tpu.memory_space<vmem_shared>> -> memref<128x128xf32, #tpu.memory_space<vmem_shared>>
      tpu.enqueue_dma source(%arg5 : memref<128x128xf32, #tpu.memory_space<hbm>>) target(%dma_start3A_33 : memref<128x128xf32, #tpu.memory_space<vmem_shared>>) target_semaphore(%run_scoped3A : memref<!tpu.dma_semaphore, #tpu.memory_space<semaphore_mem>>)
      %dma_wait3A = arith.constant 0 : i32
      %dma_wait3A_34 = tpu.memref_slice %arg10[%add3A_12, %dma_wait3A] : memref<10240x128xf32, #tpu.memory_space<vmem_shared>> -> memref<128x128xf32, #tpu.memory_space<vmem_shared>>
      tpu.wait_dma2 semaphore(%run_scoped3A : memref<!tpu.dma_semaphore, #tpu.memory_space<semaphore_mem>>) src(%arg5 : memref<128x128xf32, #tpu.memory_space<hbm>>) dst(%dma_wait3A_34 : memref<128x128xf32, #tpu.memory_space<vmem_shared>>)
      tpu.yield
    }) : () -> ()
    %mul3A_13 = arith.constant 640 : i32
    %mul3A_14 = arith.muli %arg1, %mul3A_13 : i32
    %add3A_15 = arith.constant 384 : i32
    %add3A_16 = arith.addi %mul3A_14, %add3A_15 : i32
    "tpu.region"() ({
      %run_scoped3A = tpu.sem_alloc : memref<!tpu.dma_semaphore, #tpu.memory_space<semaphore_mem>>
      %dma_start3A = arith.constant 0 : i32
      %dma_start3A_33 = tpu.memref_slice %arg10[%add3A_16, %dma_start3A] : memref<10240x128xf32, #tpu.memory_space<vmem_shared>> -> memref<128x128xf32, #tpu.memory_space<vmem_shared>>
      tpu.enqueue_dma source(%arg5 : memref<128x128xf32, #tpu.memory_space<hbm>>) target(%dma_start3A_33 : memref<128x128xf32, #tpu.memory_space<vmem_shared>>) target_semaphore(%run_scoped3A : memref<!tpu.dma_semaphore, #tpu.memory_space<semaphore_mem>>)
      %dma_wait3A = arith.constant 0 : i32
      %dma_wait3A_34 = tpu.memref_slice %arg10[%add3A_16, %dma_wait3A] : memref<10240x128xf32, #tpu.memory_space<vmem_shared>> -> memref<128x128xf32, #tpu.memory_space<vmem_shared>>
      tpu.wait_dma2 semaphore(%run_scoped3A : memref<!tpu.dma_semaphore, #tpu.memory_space<semaphore_mem>>) src(%arg5 : memref<128x128xf32, #tpu.memory_space<hbm>>) dst(%dma_wait3A_34 : memref<128x128xf32, #tpu.memory_space<vmem_shared>>)
      tpu.yield
    }) : () -> ()
    %mul3A_17 = arith.constant 640 : i32
    %mul3A_18 = arith.muli %arg1, %mul3A_17 : i32
    %add3A_19 = arith.constant 512 : i32
    %add3A_20 = arith.addi %mul3A_18, %add3A_19 : i32
    "tpu.region"() ({
      %run_scoped3A = tpu.sem_alloc : memref<!tpu.dma_semaphore, #tpu.memory_space<semaphore_mem>>
      %dma_start3A = arith.constant 0 : i32
      %dma_start3A_33 = tpu.memref_slice %arg10[%add3A_20, %dma_start3A] : memref<10240x128xf32, #tpu.memory_space<vmem_shared>> -> memref<128x128xf32, #tpu.memory_space<vmem_shared>>
      tpu.enqueue_dma source(%arg5 : memref<128x128xf32, #tpu.memory_space<hbm>>) target(%dma_start3A_33 : memref<128x128xf32, #tpu.memory_space<vmem_shared>>) target_semaphore(%run_scoped3A : memref<!tpu.dma_semaphore, #tpu.memory_space<semaphore_mem>>)
      %dma_wait3A = arith.constant 0 : i32
      %dma_wait3A_34 = tpu.memref_slice %arg10[%add3A_20, %dma_wait3A] : memref<10240x128xf32, #tpu.memory_space<vmem_shared>> -> memref<128x128xf32, #tpu.memory_space<vmem_shared>>
      tpu.wait_dma2 semaphore(%run_scoped3A : memref<!tpu.dma_semaphore, #tpu.memory_space<semaphore_mem>>) src(%arg5 : memref<128x128xf32, #tpu.memory_space<hbm>>) dst(%dma_wait3A_34 : memref<128x128xf32, #tpu.memory_space<vmem_shared>>)
      tpu.yield
    }) : () -> ()
    %barrier3A = arith.constant 0 : index
    tpu.barrier barrier_id(%barrier3A)
    "tpu.region"() ({
      %run_scoped3A = tpu.sem_alloc : memref<!tpu.dma_semaphore, #tpu.memory_space<semaphore_mem>>
      %dma_start3A = arith.constant 0 : i32
      %dma_start3A_33 = arith.constant 0 : i32
      %dma_start3A_34 = tpu.memref_slice %arg3[%add3A, %dma_start3A, %dma_start3A_33] : memref<32x79x128xi32, #tpu.memory_space<hbm>> -> memref<1x79x128xi32, #tpu.memory_space<hbm>>
      %dma_start3A_35 = tpu.memref_squeeze %dma_start3A_34 : memref<1x79x128xi32, #tpu.memory_space<hbm>> -> memref<79x128xi32, #tpu.memory_space<hbm>>
      %dma_start3A_36 = arith.constant 0 : i32
      %dma_start3A_37 = arith.constant 0 : i32
      %dma_start3A_38 = tpu.memref_slice %arg3[%add3A, %dma_start3A_36, %dma_start3A_37] : memref<32x79x128xi32, #tpu.memory_space<hbm>> -> memref<1x79x128xi32, #tpu.memory_space<hbm>>
      %dma_start3A_39 = tpu.memref_squeeze %dma_start3A_38 : memref<1x79x128xi32, #tpu.memory_space<hbm>> -> memref<79x128xi32, #tpu.memory_space<hbm>>
      tpu.enqueue_dma source(%dma_start3A_39 : memref<79x128xi32, #tpu.memory_space<hbm>>) target(%arg7 : memref<79x128xi32, #tpu.memory_space<vmem>>) target_semaphore(%run_scoped3A : memref<!tpu.dma_semaphore, #tpu.memory_space<semaphore_mem>>)
      %dma_wait3A = arith.constant 0 : i32
      %dma_wait3A_40 = arith.constant 0 : i32
      %dma_wait3A_41 = tpu.memref_slice %arg3[%add3A, %dma_wait3A, %dma_wait3A_40] : memref<32x79x128xi32, #tpu.memory_space<hbm>> -> memref<1x79x128xi32, #tpu.memory_space<hbm>>
      %dma_wait3A_42 = tpu.memref_squeeze %dma_wait3A_41 : memref<1x79x128xi32, #tpu.memory_space<hbm>> -> memref<79x128xi32, #tpu.memory_space<hbm>>
      %dma_wait3A_43 = arith.constant 0 : i32
      %dma_wait3A_44 = arith.constant 0 : i32
      %dma_wait3A_45 = tpu.memref_slice %arg3[%add3A, %dma_wait3A_43, %dma_wait3A_44] : memref<32x79x128xi32, #tpu.memory_space<hbm>> -> memref<1x79x128xi32, #tpu.memory_space<hbm>>
      %dma_wait3A_46 = tpu.memref_squeeze %dma_wait3A_45 : memref<1x79x128xi32, #tpu.memory_space<hbm>> -> memref<79x128xi32, #tpu.memory_space<hbm>>
      tpu.wait_dma2 semaphore(%run_scoped3A : memref<!tpu.dma_semaphore, #tpu.memory_space<semaphore_mem>>) src(%dma_wait3A_46 : memref<79x128xi32, #tpu.memory_space<hbm>>) dst(%arg7 : memref<79x128xi32, #tpu.memory_space<vmem>>)
      tpu.yield
    }) : () -> ()
    "tpu.region"() ({
      %run_scoped3A = tpu.sem_alloc : memref<!tpu.dma_semaphore, #tpu.memory_space<semaphore_mem>>
      %dma_start3A = arith.constant 0 : i32
      %dma_start3A_33 = arith.constant 0 : i32
      %dma_start3A_34 = tpu.memref_slice %arg4[%add3A, %dma_start3A, %dma_start3A_33] : memref<32x79x128xi32, #tpu.memory_space<hbm>> -> memref<1x79x128xi32, #tpu.memory_space<hbm>>
      %dma_start3A_35 = tpu.memref_squeeze %dma_start3A_34 : memref<1x79x128xi32, #tpu.memory_space<hbm>> -> memref<79x128xi32, #tpu.memory_space<hbm>>
      %dma_start3A_36 = arith.constant 0 : i32
      %dma_start3A_37 = arith.constant 0 : i32
      %dma_start3A_38 = tpu.memref_slice %arg4[%add3A, %dma_start3A_36, %dma_start3A_37] : memref<32x79x128xi32, #tpu.memory_space<hbm>> -> memref<1x79x128xi32, #tpu.memory_space<hbm>>
      %dma_start3A_39 = tpu.memref_squeeze %dma_start3A_38 : memref<1x79x128xi32, #tpu.memory_space<hbm>> -> memref<79x128xi32, #tpu.memory_space<hbm>>
      tpu.enqueue_dma source(%dma_start3A_39 : memref<79x128xi32, #tpu.memory_space<hbm>>) target(%arg8 : memref<79x128xi32, #tpu.memory_space<vmem>>) target_semaphore(%run_scoped3A : memref<!tpu.dma_semaphore, #tpu.memory_space<semaphore_mem>>)
      %dma_wait3A = arith.constant 0 : i32
      %dma_wait3A_40 = arith.constant 0 : i32
      %dma_wait3A_41 = tpu.memref_slice %arg4[%add3A, %dma_wait3A, %dma_wait3A_40] : memref<32x79x128xi32, #tpu.memory_space<hbm>> -> memref<1x79x128xi32, #tpu.memory_space<hbm>>
      %dma_wait3A_42 = tpu.memref_squeeze %dma_wait3A_41 : memref<1x79x128xi32, #tpu.memory_space<hbm>> -> memref<79x128xi32, #tpu.memory_space<hbm>>
      %dma_wait3A_43 = arith.constant 0 : i32
      %dma_wait3A_44 = arith.constant 0 : i32
      %dma_wait3A_45 = tpu.memref_slice %arg4[%add3A, %dma_wait3A_43, %dma_wait3A_44] : memref<32x79x128xi32, #tpu.memory_space<hbm>> -> memref<1x79x128xi32, #tpu.memory_space<hbm>>
      %dma_wait3A_46 = tpu.memref_squeeze %dma_wait3A_45 : memref<1x79x128xi32, #tpu.memory_space<hbm>> -> memref<79x128xi32, #tpu.memory_space<hbm>>
      tpu.wait_dma2 semaphore(%run_scoped3A : memref<!tpu.dma_semaphore, #tpu.memory_space<semaphore_mem>>) src(%dma_wait3A_46 : memref<79x128xi32, #tpu.memory_space<hbm>>) dst(%arg8 : memref<79x128xi32, #tpu.memory_space<vmem>>)
      tpu.yield
    }) : () -> ()
    %scan3A = arith.constant 0 : i32
    %scan3A_21 = arith.constant 79 : i32
    %scan3A_22 = arith.addi %scan3A, %scan3A_21 : i32
    %scan3A_23 = arith.constant 1 : i32
    scf.for %scan3A_33 = %scan3A to %scan3A_22 step %scan3A_23  : i32 {
      %mul3A_34 = arith.constant 1 : i32
      %mul3A_35 = arith.muli %scan3A_33, %mul3A_34 : i32
      %add3A_36 = arith.constant 0 : i32
      %add3A_37 = arith.addi %add3A_36, %mul3A_35 : i32
      "tpu.region"() ({
        %run_scoped3A = tpu.sem_alloc : memref<!tpu.dma_semaphore, #tpu.memory_space<semaphore_mem>>
        %dma_start3A = arith.constant 0 : i32
        %dma_start3A_38 = tpu.memref_slice %arg7[%add3A_37, %dma_start3A] : memref<79x128xi32, #tpu.memory_space<vmem>> -> memref<1x128xi32, #tpu.memory_space<vmem>>
        %dma_start3A_39 = tpu.memref_squeeze %dma_start3A_38 : memref<1x128xi32, #tpu.memory_space<vmem>> -> memref<128xi32, #tpu.memory_space<vmem>>
        %dma_start3A_40 = arith.constant 0 : i32
        %dma_start3A_41 = arith.constant 0 : i32
        %dma_start3A_42 = tpu.memref_slice %arg2[%dma_start3A_40, %dma_start3A_41] : memref<10240x128xf32, #tpu.memory_space<hbm>> -> memref<10240x128xf32, #tpu.memory_space<hbm>>
        tpu.enqueue_indirect_dma source(%dma_start3A_42 : memref<10240x128xf32, #tpu.memory_space<hbm>>) target(%arg9 : memref<128x128xf32, #tpu.memory_space<vmem>>) offsets(%dma_start3A_39 : memref<128xi32, #tpu.memory_space<vmem>>) semaphore(%run_scoped3A : memref<!tpu.dma_semaphore, #tpu.memory_space<semaphore_mem>>)
        %dma_wait3A = arith.constant 0 : i32
        %dma_wait3A_43 = tpu.memref_slice %arg7[%add3A_37, %dma_wait3A] : memref<79x128xi32, #tpu.memory_space<vmem>> -> memref<1x128xi32, #tpu.memory_space<vmem>>
        %dma_wait3A_44 = tpu.memref_squeeze %dma_wait3A_43 : memref<1x128xi32, #tpu.memory_space<vmem>> -> memref<128xi32, #tpu.memory_space<vmem>>
        %dma_wait3A_45 = arith.constant 0 : i32
        %dma_wait3A_46 = arith.constant 0 : i32
        %dma_wait3A_47 = tpu.memref_slice %arg2[%dma_wait3A_45, %dma_wait3A_46] : memref<10240x128xf32, #tpu.memory_space<hbm>> -> memref<10240x128xf32, #tpu.memory_space<hbm>>
        tpu.wait_indirect_dma semaphore(%run_scoped3A : memref<!tpu.dma_semaphore, #tpu.memory_space<semaphore_mem>>) src(%dma_wait3A_47 : memref<10240x128xf32, #tpu.memory_space<hbm>>) dst(%arg9 : memref<128x128xf32, #tpu.memory_space<vmem>>)
        tpu.yield
      }) : () -> ()
      "tpu.region"() ({
        %run_scoped3A = tpu.sem_alloc : memref<!tpu.dma_semaphore, #tpu.memory_space<semaphore_mem>>
        %dma_start3A = arith.constant 0 : i32
        %dma_start3A_38 = tpu.memref_slice %arg8[%add3A_37, %dma_start3A] : memref<79x128xi32, #tpu.memory_space<vmem>> -> memref<1x128xi32, #tpu.memory_space<vmem>>
        %dma_start3A_39 = tpu.memref_squeeze %dma_start3A_38 : memref<1x128xi32, #tpu.memory_space<vmem>> -> memref<128xi32, #tpu.memory_space<vmem>>
        %dma_start3A_40 = arith.constant 0 : i32
        %dma_start3A_41 = arith.constant 0 : i32
        %dma_start3A_42 = tpu.memref_slice %arg10[%dma_start3A_40, %dma_start3A_41] : memref<10240x128xf32, #tpu.memory_space<vmem_shared>> -> memref<10240x128xf32, #tpu.memory_space<vmem_shared>>
        tpu.enqueue_indirect_dma source(%arg9 : memref<128x128xf32, #tpu.memory_space<vmem>>) target(%dma_start3A_42 : memref<10240x128xf32, #tpu.memory_space<vmem_shared>>) offsets(%dma_start3A_39 : memref<128xi32, #tpu.memory_space<vmem>>) semaphore(%run_scoped3A : memref<!tpu.dma_semaphore, #tpu.memory_space<semaphore_mem>>) {add = true}
        %dma_wait3A = arith.constant 0 : i32
        %dma_wait3A_43 = tpu.memref_slice %arg8[%add3A_37, %dma_wait3A] : memref<79x128xi32, #tpu.memory_space<vmem>> -> memref<1x128xi32, #tpu.memory_space<vmem>>
        %dma_wait3A_44 = tpu.memref_squeeze %dma_wait3A_43 : memref<1x128xi32, #tpu.memory_space<vmem>> -> memref<128xi32, #tpu.memory_space<vmem>>
        %dma_wait3A_45 = arith.constant 0 : i32
        %dma_wait3A_46 = arith.constant 0 : i32
        %dma_wait3A_47 = tpu.memref_slice %arg10[%dma_wait3A_45, %dma_wait3A_46] : memref<10240x128xf32, #tpu.memory_space<vmem_shared>> -> memref<10240x128xf32, #tpu.memory_space<vmem_shared>>
        tpu.wait_indirect_dma semaphore(%run_scoped3A : memref<!tpu.dma_semaphore, #tpu.memory_space<semaphore_mem>>) src(%arg9 : memref<128x128xf32, #tpu.memory_space<vmem>>) dst(%dma_wait3A_47 : memref<10240x128xf32, #tpu.memory_space<vmem_shared>>)
        tpu.yield
      }) : () -> ()
    }
    %scan3A_24 = arith.constant 79 : i32
    %barrier3A_25 = arith.constant 0 : index
    tpu.barrier barrier_id(%barrier3A_25)
    %eq3A = arith.constant 0 : i32
    %eq3A_26 = arith.cmpi eq, %arg0, %eq3A : i32
    %convert_element_type3A = arith.extui %eq3A_26 : i1 to i32
    %cond3A = arith.constant 0 : i32
    %cond3A_27 = arith.cmpi ne, %convert_element_type3A, %cond3A : i32
    scf.if %cond3A_27 {
      %mul3A_33 = arith.constant 640 : i32
      %mul3A_34 = arith.muli %arg1, %mul3A_33 : i32
      %mul3A_35 = arith.constant 640 : i32
      %mul3A_36 = arith.muli %arg1, %mul3A_35 : i32
      %run_scoped3A = arith.constant 0 : i32
      "tpu.region"() ({
        %run_scoped3A_37 = tpu.sem_alloc : memref<!tpu.dma_semaphore, #tpu.memory_space<semaphore_mem>>
        %dma_start3A = arith.constant 0 : i32
        %dma_start3A_38 = arith.constant 0 : i32
        %dma_start3A_39 = tpu.memref_slice %arg6[%run_scoped3A, %dma_start3A, %dma_start3A_38] : memref<2x10240x128xf32, #tpu.memory_space<hbm>> -> memref<1x10240x128xf32, #tpu.memory_space<hbm>>
        %dma_start3A_40 = tpu.memref_squeeze %dma_start3A_39 : memref<1x10240x128xf32, #tpu.memory_space<hbm>> -> memref<10240x128xf32, #tpu.memory_space<hbm>>
        %dma_start3A_41 = arith.constant 0 : i32
        %dma_start3A_42 = tpu.memref_slice %dma_start3A_40[%mul3A_36, %dma_start3A_41] : memref<10240x128xf32, #tpu.memory_space<hbm>> -> memref<640x128xf32, #tpu.memory_space<hbm>>
        %dma_start3A_43 = arith.constant 0 : i32
        %dma_start3A_44 = tpu.memref_slice %arg10[%mul3A_34, %dma_start3A_43] : memref<10240x128xf32, #tpu.memory_space<vmem_shared>> -> memref<640x128xf32, #tpu.memory_space<vmem_shared>>
        tpu.enqueue_dma source(%dma_start3A_44 : memref<640x128xf32, #tpu.memory_space<vmem_shared>>) target(%dma_start3A_42 : memref<640x128xf32, #tpu.memory_space<hbm>>) target_semaphore(%run_scoped3A_37 : memref<!tpu.dma_semaphore, #tpu.memory_space<semaphore_mem>>)
        %dma_wait3A = arith.constant 0 : i32
        %dma_wait3A_45 = arith.constant 0 : i32
        %dma_wait3A_46 = tpu.memref_slice %arg6[%run_scoped3A, %dma_wait3A, %dma_wait3A_45] : memref<2x10240x128xf32, #tpu.memory_space<hbm>> -> memref<1x10240x128xf32, #tpu.memory_space<hbm>>
        %dma_wait3A_47 = tpu.memref_squeeze %dma_wait3A_46 : memref<1x10240x128xf32, #tpu.memory_space<hbm>> -> memref<10240x128xf32, #tpu.memory_space<hbm>>
        %dma_wait3A_48 = arith.constant 0 : i32
        %dma_wait3A_49 = tpu.memref_slice %dma_wait3A_47[%mul3A_36, %dma_wait3A_48] : memref<10240x128xf32, #tpu.memory_space<hbm>> -> memref<640x128xf32, #tpu.memory_space<hbm>>
        %dma_wait3A_50 = arith.constant 0 : i32
        %dma_wait3A_51 = tpu.memref_slice %arg10[%mul3A_34, %dma_wait3A_50] : memref<10240x128xf32, #tpu.memory_space<vmem_shared>> -> memref<640x128xf32, #tpu.memory_space<vmem_shared>>
        tpu.wait_dma2 semaphore(%run_scoped3A_37 : memref<!tpu.dma_semaphore, #tpu.memory_space<semaphore_mem>>) src(%dma_wait3A_51 : memref<640x128xf32, #tpu.memory_space<vmem_shared>>) dst(%dma_wait3A_49 : memref<640x128xf32, #tpu.memory_space<hbm>>)
        tpu.yield
      }) : () -> ()
    } else {
    }
    %eq3A_28 = arith.constant 1 : i32
    %eq3A_29 = arith.cmpi eq, %arg0, %eq3A_28 : i32
    %convert_element_type3A_30 = arith.extui %eq3A_29 : i1 to i32
    %cond3A_31 = arith.constant 0 : i32
    %cond3A_32 = arith.cmpi ne, %convert_element_type3A_30, %cond3A_31 : i32
    scf.if %cond3A_32 {
      %mul3A_33 = arith.constant 640 : i32
      %mul3A_34 = arith.muli %arg1, %mul3A_33 : i32
      %mul3A_35 = arith.constant 640 : i32
      %mul3A_36 = arith.muli %arg1, %mul3A_35 : i32
      %run_scoped3A = arith.constant 1 : i32
      "tpu.region"() ({
        %run_scoped3A_37 = tpu.sem_alloc : memref<!tpu.dma_semaphore, #tpu.memory_space<semaphore_mem>>
        %dma_start3A = arith.constant 0 : i32
        %dma_start3A_38 = arith.constant 0 : i32
        %dma_start3A_39 = tpu.memref_slice %arg6[%run_scoped3A, %dma_start3A, %dma_start3A_38] : memref<2x10240x128xf32, #tpu.memory_space<hbm>> -> memref<1x10240x128xf32, #tpu.memory_space<hbm>>
        %dma_start3A_40 = tpu.memref_squeeze %dma_start3A_39 : memref<1x10240x128xf32, #tpu.memory_space<hbm>> -> memref<10240x128xf32, #tpu.memory_space<hbm>>
        %dma_start3A_41 = arith.constant 0 : i32
        %dma_start3A_42 = tpu.memref_slice %dma_start3A_40[%mul3A_36, %dma_start3A_41] : memref<10240x128xf32, #tpu.memory_space<hbm>> -> memref<640x128xf32, #tpu.memory_space<hbm>>
        %dma_start3A_43 = arith.constant 0 : i32
        %dma_start3A_44 = tpu.memref_slice %arg10[%mul3A_34, %dma_start3A_43] : memref<10240x128xf32, #tpu.memory_space<vmem_shared>> -> memref<640x128xf32, #tpu.memory_space<vmem_shared>>
        tpu.enqueue_dma source(%dma_start3A_44 : memref<640x128xf32, #tpu.memory_space<vmem_shared>>) target(%dma_start3A_42 : memref<640x128xf32, #tpu.memory_space<hbm>>) target_semaphore(%run_scoped3A_37 : memref<!tpu.dma_semaphore, #tpu.memory_space<semaphore_mem>>)
        %dma_wait3A = arith.constant 0 : i32
        %dma_wait3A_45 = arith.constant 0 : i32
        %dma_wait3A_46 = tpu.memref_slice %arg6[%run_scoped3A, %dma_wait3A, %dma_wait3A_45] : memref<2x10240x128xf32, #tpu.memory_space<hbm>> -> memref<1x10240x128xf32, #tpu.memory_space<hbm>>
        %dma_wait3A_47 = tpu.memref_squeeze %dma_wait3A_46 : memref<1x10240x128xf32, #tpu.memory_space<hbm>> -> memref<10240x128xf32, #tpu.memory_space<hbm>>
        %dma_wait3A_48 = arith.constant 0 : i32
        %dma_wait3A_49 = tpu.memref_slice %dma_wait3A_47[%mul3A_36, %dma_wait3A_48] : memref<10240x128xf32, #tpu.memory_space<hbm>> -> memref<640x128xf32, #tpu.memory_space<hbm>>
        %dma_wait3A_50 = arith.constant 0 : i32
        %dma_wait3A_51 = tpu.memref_slice %arg10[%mul3A_34, %dma_wait3A_50] : memref<10240x128xf32, #tpu.memory_space<vmem_shared>> -> memref<640x128xf32, #tpu.memory_space<vmem_shared>>
        tpu.wait_dma2 semaphore(%run_scoped3A_37 : memref<!tpu.dma_semaphore, #tpu.memory_space<semaphore_mem>>) src(%dma_wait3A_51 : memref<640x128xf32, #tpu.memory_space<vmem_shared>>) dst(%dma_wait3A_49 : memref<640x128xf32, #tpu.memory_space<hbm>>)
        tpu.yield
      }) : () -> ()
    } else {
    }
    return
  }
}

#map = affine_map<(d0, d1) -> (0, 0)>
#map1 = affine_map<(d0, d1) -> (0, 0, 0)>
module attributes {stable_mosaic.version = 14 : i64} {
  func.func @_agg_body(%arg0: i32, %arg1: i32, %arg2: memref<10240x128xf32, #tpu.memory_space<hbm>>, %arg3: memref<32x79x128xi32, #tpu.memory_space<hbm>>, %arg4: memref<32x79x128xi32, #tpu.memory_space<hbm>>, %arg5: memref<128x128xf32, #tpu.memory_space<hbm>>, %arg6: memref<2x10240x128xf32, #tpu.memory_space<hbm>>, %arg7: memref<79x128xi32, #tpu.memory_space<vmem>>, %arg8: memref<79x128xi32, #tpu.memory_space<vmem>>, %arg9: memref<128x128xf32, #tpu.memory_space<vmem>>, %arg10: memref<10240x128xf32, #tpu.memory_space<vmem_shared>>) attributes {dimension_semantics = [#tpu.dimension_semantics<core_parallel>, #tpu.dimension_semantics<subcore_parallel>], iteration_bounds = array<i64: 2, 16>, scalar_prefetch = 0 : i64, scratch_operands = 4 : i64, tpu.core_type = #tpu.core_type<sc_vector_subcore>, window_params = [{transform_indices = #map}, {transform_indices = #map1}, {transform_indices = #map1}, {transform_indices = #map}, {transform_indices = #map1}]} {
    %mul3A = arith.constant 16 : i32
    %mul3A_0 = arith.muli %arg0, %mul3A : i32
    %add3A = arith.addi %mul3A_0, %arg1 : i32
    %mul3A_1 = arith.constant 640 : i32
    %mul3A_2 = arith.muli %arg1, %mul3A_1 : i32
    %add3A_3 = arith.constant 0 : i32
    %add3A_4 = arith.addi %mul3A_2, %add3A_3 : i32
    "tpu.region"() ({
      %run_scoped3A = tpu.sem_alloc : memref<!tpu.dma_semaphore, #tpu.memory_space<semaphore_mem>>
      %dma_start3A = arith.constant 0 : i32
      %dma_start3A_33 = tpu.memref_slice %arg10[%add3A_4, %dma_start3A] : memref<10240x128xf32, #tpu.memory_space<vmem_shared>> -> memref<128x128xf32, #tpu.memory_space<vmem_shared>>
      tpu.enqueue_dma source(%arg5 : memref<128x128xf32, #tpu.memory_space<hbm>>) target(%dma_start3A_33 : memref<128x128xf32, #tpu.memory_space<vmem_shared>>) target_semaphore(%run_scoped3A : memref<!tpu.dma_semaphore, #tpu.memory_space<semaphore_mem>>)
      %dma_wait3A = arith.constant 0 : i32
      %dma_wait3A_34 = tpu.memref_slice %arg10[%add3A_4, %dma_wait3A] : memref<10240x128xf32, #tpu.memory_space<vmem_shared>> -> memref<128x128xf32, #tpu.memory_space<vmem_shared>>
      tpu.wait_dma2 semaphore(%run_scoped3A : memref<!tpu.dma_semaphore, #tpu.memory_space<semaphore_mem>>) src(%arg5 : memref<128x128xf32, #tpu.memory_space<hbm>>) dst(%dma_wait3A_34 : memref<128x128xf32, #tpu.memory_space<vmem_shared>>)
      tpu.yield
    }) : () -> ()
    %mul3A_5 = arith.constant 640 : i32
    %mul3A_6 = arith.muli %arg1, %mul3A_5 : i32
    %add3A_7 = arith.constant 128 : i32
    %add3A_8 = arith.addi %mul3A_6, %add3A_7 : i32
    "tpu.region"() ({
      %run_scoped3A = tpu.sem_alloc : memref<!tpu.dma_semaphore, #tpu.memory_space<semaphore_mem>>
      %dma_start3A = arith.constant 0 : i32
      %dma_start3A_33 = tpu.memref_slice %arg10[%add3A_8, %dma_start3A] : memref<10240x128xf32, #tpu.memory_space<vmem_shared>> -> memref<128x128xf32, #tpu.memory_space<vmem_shared>>
      tpu.enqueue_dma source(%arg5 : memref<128x128xf32, #tpu.memory_space<hbm>>) target(%dma_start3A_33 : memref<128x128xf32, #tpu.memory_space<vmem_shared>>) target_semaphore(%run_scoped3A : memref<!tpu.dma_semaphore, #tpu.memory_space<semaphore_mem>>)
      %dma_wait3A = arith.constant 0 : i32
      %dma_wait3A_34 = tpu.memref_slice %arg10[%add3A_8, %dma_wait3A] : memref<10240x128xf32, #tpu.memory_space<vmem_shared>> -> memref<128x128xf32, #tpu.memory_space<vmem_shared>>
      tpu.wait_dma2 semaphore(%run_scoped3A : memref<!tpu.dma_semaphore, #tpu.memory_space<semaphore_mem>>) src(%arg5 : memref<128x128xf32, #tpu.memory_space<hbm>>) dst(%dma_wait3A_34 : memref<128x128xf32, #tpu.memory_space<vmem_shared>>)
      tpu.yield
    }) : () -> ()
    %mul3A_9 = arith.constant 640 : i32
    %mul3A_10 = arith.muli %arg1, %mul3A_9 : i32
    %add3A_11 = arith.constant 256 : i32
    %add3A_12 = arith.addi %mul3A_10, %add3A_11 : i32
    "tpu.region"() ({
      %run_scoped3A = tpu.sem_alloc : memref<!tpu.dma_semaphore, #tpu.memory_space<semaphore_mem>>
      %dma_start3A = arith.constant 0 : i32
      %dma_start3A_33 = tpu.memref_slice %arg10[%add3A_12, %dma_start3A] : memref<10240x128xf32, #tpu.memory_space<vmem_shared>> -> memref<128x128xf32, #tpu.memory_space<vmem_shared>>
      tpu.enqueue_dma source(%arg5 : memref<128x128xf32, #tpu.memory_space<hbm>>) target(%dma_start3A_33 : memref<128x128xf32, #tpu.memory_space<vmem_shared>>) target_semaphore(%run_scoped3A : memref<!tpu.dma_semaphore, #tpu.memory_space<semaphore_mem>>)
      %dma_wait3A = arith.constant 0 : i32
      %dma_wait3A_34 = tpu.memref_slice %arg10[%add3A_12, %dma_wait3A] : memref<10240x128xf32, #tpu.memory_space<vmem_shared>> -> memref<128x128xf32, #tpu.memory_space<vmem_shared>>
      tpu.wait_dma2 semaphore(%run_scoped3A : memref<!tpu.dma_semaphore, #tpu.memory_space<semaphore_mem>>) src(%arg5 : memref<128x128xf32, #tpu.memory_space<hbm>>) dst(%dma_wait3A_34 : memref<128x128xf32, #tpu.memory_space<vmem_shared>>)
      tpu.yield
    }) : () -> ()
    %mul3A_13 = arith.constant 640 : i32
    %mul3A_14 = arith.muli %arg1, %mul3A_13 : i32
    %add3A_15 = arith.constant 384 : i32
    %add3A_16 = arith.addi %mul3A_14, %add3A_15 : i32
    "tpu.region"() ({
      %run_scoped3A = tpu.sem_alloc : memref<!tpu.dma_semaphore, #tpu.memory_space<semaphore_mem>>
      %dma_start3A = arith.constant 0 : i32
      %dma_start3A_33 = tpu.memref_slice %arg10[%add3A_16, %dma_start3A] : memref<10240x128xf32, #tpu.memory_space<vmem_shared>> -> memref<128x128xf32, #tpu.memory_space<vmem_shared>>
      tpu.enqueue_dma source(%arg5 : memref<128x128xf32, #tpu.memory_space<hbm>>) target(%dma_start3A_33 : memref<128x128xf32, #tpu.memory_space<vmem_shared>>) target_semaphore(%run_scoped3A : memref<!tpu.dma_semaphore, #tpu.memory_space<semaphore_mem>>)
      %dma_wait3A = arith.constant 0 : i32
      %dma_wait3A_34 = tpu.memref_slice %arg10[%add3A_16, %dma_wait3A] : memref<10240x128xf32, #tpu.memory_space<vmem_shared>> -> memref<128x128xf32, #tpu.memory_space<vmem_shared>>
      tpu.wait_dma2 semaphore(%run_scoped3A : memref<!tpu.dma_semaphore, #tpu.memory_space<semaphore_mem>>) src(%arg5 : memref<128x128xf32, #tpu.memory_space<hbm>>) dst(%dma_wait3A_34 : memref<128x128xf32, #tpu.memory_space<vmem_shared>>)
      tpu.yield
    }) : () -> ()
    %mul3A_17 = arith.constant 640 : i32
    %mul3A_18 = arith.muli %arg1, %mul3A_17 : i32
    %add3A_19 = arith.constant 512 : i32
    %add3A_20 = arith.addi %mul3A_18, %add3A_19 : i32
    "tpu.region"() ({
      %run_scoped3A = tpu.sem_alloc : memref<!tpu.dma_semaphore, #tpu.memory_space<semaphore_mem>>
      %dma_start3A = arith.constant 0 : i32
      %dma_start3A_33 = tpu.memref_slice %arg10[%add3A_20, %dma_start3A] : memref<10240x128xf32, #tpu.memory_space<vmem_shared>> -> memref<128x128xf32, #tpu.memory_space<vmem_shared>>
      tpu.enqueue_dma source(%arg5 : memref<128x128xf32, #tpu.memory_space<hbm>>) target(%dma_start3A_33 : memref<128x128xf32, #tpu.memory_space<vmem_shared>>) target_semaphore(%run_scoped3A : memref<!tpu.dma_semaphore, #tpu.memory_space<semaphore_mem>>)
      %dma_wait3A = arith.constant 0 : i32
      %dma_wait3A_34 = tpu.memref_slice %arg10[%add3A_20, %dma_wait3A] : memref<10240x128xf32, #tpu.memory_space<vmem_shared>> -> memref<128x128xf32, #tpu.memory_space<vmem_shared>>
      tpu.wait_dma2 semaphore(%run_scoped3A : memref<!tpu.dma_semaphore, #tpu.memory_space<semaphore_mem>>) src(%arg5 : memref<128x128xf32, #tpu.memory_space<hbm>>) dst(%dma_wait3A_34 : memref<128x128xf32, #tpu.memory_space<vmem_shared>>)
      tpu.yield
    }) : () -> ()
    %barrier3A = arith.constant 0 : index
    tpu.barrier barrier_id(%barrier3A)
    "tpu.region"() ({
      %run_scoped3A = tpu.sem_alloc : memref<!tpu.dma_semaphore, #tpu.memory_space<semaphore_mem>>
      %dma_start3A = arith.constant 0 : i32
      %dma_start3A_33 = arith.constant 0 : i32
      %dma_start3A_34 = tpu.memref_slice %arg3[%add3A, %dma_start3A, %dma_start3A_33] : memref<32x79x128xi32, #tpu.memory_space<hbm>> -> memref<1x79x128xi32, #tpu.memory_space<hbm>>
      %dma_start3A_35 = tpu.memref_squeeze %dma_start3A_34 : memref<1x79x128xi32, #tpu.memory_space<hbm>> -> memref<79x128xi32, #tpu.memory_space<hbm>>
      %dma_start3A_36 = arith.constant 0 : i32
      %dma_start3A_37 = arith.constant 0 : i32
      %dma_start3A_38 = tpu.memref_slice %arg3[%add3A, %dma_start3A_36, %dma_start3A_37] : memref<32x79x128xi32, #tpu.memory_space<hbm>> -> memref<1x79x128xi32, #tpu.memory_space<hbm>>
      %dma_start3A_39 = tpu.memref_squeeze %dma_start3A_38 : memref<1x79x128xi32, #tpu.memory_space<hbm>> -> memref<79x128xi32, #tpu.memory_space<hbm>>
      tpu.enqueue_dma source(%dma_start3A_39 : memref<79x128xi32, #tpu.memory_space<hbm>>) target(%arg7 : memref<79x128xi32, #tpu.memory_space<vmem>>) target_semaphore(%run_scoped3A : memref<!tpu.dma_semaphore, #tpu.memory_space<semaphore_mem>>)
      %dma_wait3A = arith.constant 0 : i32
      %dma_wait3A_40 = arith.constant 0 : i32
      %dma_wait3A_41 = tpu.memref_slice %arg3[%add3A, %dma_wait3A, %dma_wait3A_40] : memref<32x79x128xi32, #tpu.memory_space<hbm>> -> memref<1x79x128xi32, #tpu.memory_space<hbm>>
      %dma_wait3A_42 = tpu.memref_squeeze %dma_wait3A_41 : memref<1x79x128xi32, #tpu.memory_space<hbm>> -> memref<79x128xi32, #tpu.memory_space<hbm>>
      %dma_wait3A_43 = arith.constant 0 : i32
      %dma_wait3A_44 = arith.constant 0 : i32
      %dma_wait3A_45 = tpu.memref_slice %arg3[%add3A, %dma_wait3A_43, %dma_wait3A_44] : memref<32x79x128xi32, #tpu.memory_space<hbm>> -> memref<1x79x128xi32, #tpu.memory_space<hbm>>
      %dma_wait3A_46 = tpu.memref_squeeze %dma_wait3A_45 : memref<1x79x128xi32, #tpu.memory_space<hbm>> -> memref<79x128xi32, #tpu.memory_space<hbm>>
      tpu.wait_dma2 semaphore(%run_scoped3A : memref<!tpu.dma_semaphore, #tpu.memory_space<semaphore_mem>>) src(%dma_wait3A_46 : memref<79x128xi32, #tpu.memory_space<hbm>>) dst(%arg7 : memref<79x128xi32, #tpu.memory_space<vmem>>)
      tpu.yield
    }) : () -> ()
    "tpu.region"() ({
      %run_scoped3A = tpu.sem_alloc : memref<!tpu.dma_semaphore, #tpu.memory_space<semaphore_mem>>
      %dma_start3A = arith.constant 0 : i32
      %dma_start3A_33 = arith.constant 0 : i32
      %dma_start3A_34 = tpu.memref_slice %arg4[%add3A, %dma_start3A, %dma_start3A_33] : memref<32x79x128xi32, #tpu.memory_space<hbm>> -> memref<1x79x128xi32, #tpu.memory_space<hbm>>
      %dma_start3A_35 = tpu.memref_squeeze %dma_start3A_34 : memref<1x79x128xi32, #tpu.memory_space<hbm>> -> memref<79x128xi32, #tpu.memory_space<hbm>>
      %dma_start3A_36 = arith.constant 0 : i32
      %dma_start3A_37 = arith.constant 0 : i32
      %dma_start3A_38 = tpu.memref_slice %arg4[%add3A, %dma_start3A_36, %dma_start3A_37] : memref<32x79x128xi32, #tpu.memory_space<hbm>> -> memref<1x79x128xi32, #tpu.memory_space<hbm>>
      %dma_start3A_39 = tpu.memref_squeeze %dma_start3A_38 : memref<1x79x128xi32, #tpu.memory_space<hbm>> -> memref<79x128xi32, #tpu.memory_space<hbm>>
      tpu.enqueue_dma source(%dma_start3A_39 : memref<79x128xi32, #tpu.memory_space<hbm>>) target(%arg8 : memref<79x128xi32, #tpu.memory_space<vmem>>) target_semaphore(%run_scoped3A : memref<!tpu.dma_semaphore, #tpu.memory_space<semaphore_mem>>)
      %dma_wait3A = arith.constant 0 : i32
      %dma_wait3A_40 = arith.constant 0 : i32
      %dma_wait3A_41 = tpu.memref_slice %arg4[%add3A, %dma_wait3A, %dma_wait3A_40] : memref<32x79x128xi32, #tpu.memory_space<hbm>> -> memref<1x79x128xi32, #tpu.memory_space<hbm>>
      %dma_wait3A_42 = tpu.memref_squeeze %dma_wait3A_41 : memref<1x79x128xi32, #tpu.memory_space<hbm>> -> memref<79x128xi32, #tpu.memory_space<hbm>>
      %dma_wait3A_43 = arith.constant 0 : i32
      %dma_wait3A_44 = arith.constant 0 : i32
      %dma_wait3A_45 = tpu.memref_slice %arg4[%add3A, %dma_wait3A_43, %dma_wait3A_44] : memref<32x79x128xi32, #tpu.memory_space<hbm>> -> memref<1x79x128xi32, #tpu.memory_space<hbm>>
      %dma_wait3A_46 = tpu.memref_squeeze %dma_wait3A_45 : memref<1x79x128xi32, #tpu.memory_space<hbm>> -> memref<79x128xi32, #tpu.memory_space<hbm>>
      tpu.wait_dma2 semaphore(%run_scoped3A : memref<!tpu.dma_semaphore, #tpu.memory_space<semaphore_mem>>) src(%dma_wait3A_46 : memref<79x128xi32, #tpu.memory_space<hbm>>) dst(%arg8 : memref<79x128xi32, #tpu.memory_space<vmem>>)
      tpu.yield
    }) : () -> ()
    %scan3A = arith.constant 0 : i32
    %scan3A_21 = arith.constant 79 : i32
    %scan3A_22 = arith.addi %scan3A, %scan3A_21 : i32
    %scan3A_23 = arith.constant 1 : i32
    scf.for %scan3A_33 = %scan3A to %scan3A_22 step %scan3A_23  : i32 {
      %mul3A_34 = arith.constant 1 : i32
      %mul3A_35 = arith.muli %scan3A_33, %mul3A_34 : i32
      %add3A_36 = arith.constant 0 : i32
      %add3A_37 = arith.addi %add3A_36, %mul3A_35 : i32
      "tpu.region"() ({
        %run_scoped3A = tpu.sem_alloc : memref<!tpu.dma_semaphore, #tpu.memory_space<semaphore_mem>>
        %dma_start3A = arith.constant 0 : i32
        %dma_start3A_38 = tpu.memref_slice %arg7[%add3A_37, %dma_start3A] : memref<79x128xi32, #tpu.memory_space<vmem>> -> memref<1x128xi32, #tpu.memory_space<vmem>>
        %dma_start3A_39 = tpu.memref_squeeze %dma_start3A_38 : memref<1x128xi32, #tpu.memory_space<vmem>> -> memref<128xi32, #tpu.memory_space<vmem>>
        %dma_start3A_40 = arith.constant 0 : i32
        %dma_start3A_41 = arith.constant 0 : i32
        %dma_start3A_42 = tpu.memref_slice %arg2[%dma_start3A_40, %dma_start3A_41] : memref<10240x128xf32, #tpu.memory_space<hbm>> -> memref<10240x128xf32, #tpu.memory_space<hbm>>
        tpu.enqueue_indirect_dma source(%dma_start3A_42 : memref<10240x128xf32, #tpu.memory_space<hbm>>) target(%arg9 : memref<128x128xf32, #tpu.memory_space<vmem>>) offsets(%dma_start3A_39 : memref<128xi32, #tpu.memory_space<vmem>>) semaphore(%run_scoped3A : memref<!tpu.dma_semaphore, #tpu.memory_space<semaphore_mem>>)
        %dma_wait3A = arith.constant 0 : i32
        %dma_wait3A_43 = tpu.memref_slice %arg7[%add3A_37, %dma_wait3A] : memref<79x128xi32, #tpu.memory_space<vmem>> -> memref<1x128xi32, #tpu.memory_space<vmem>>
        %dma_wait3A_44 = tpu.memref_squeeze %dma_wait3A_43 : memref<1x128xi32, #tpu.memory_space<vmem>> -> memref<128xi32, #tpu.memory_space<vmem>>
        %dma_wait3A_45 = arith.constant 0 : i32
        %dma_wait3A_46 = arith.constant 0 : i32
        %dma_wait3A_47 = tpu.memref_slice %arg2[%dma_wait3A_45, %dma_wait3A_46] : memref<10240x128xf32, #tpu.memory_space<hbm>> -> memref<10240x128xf32, #tpu.memory_space<hbm>>
        tpu.wait_indirect_dma semaphore(%run_scoped3A : memref<!tpu.dma_semaphore, #tpu.memory_space<semaphore_mem>>) src(%dma_wait3A_47 : memref<10240x128xf32, #tpu.memory_space<hbm>>) dst(%arg9 : memref<128x128xf32, #tpu.memory_space<vmem>>)
        tpu.yield
      }) : () -> ()
      "tpu.region"() ({
        %run_scoped3A = tpu.sem_alloc : memref<!tpu.dma_semaphore, #tpu.memory_space<semaphore_mem>>
        %dma_start3A = arith.constant 0 : i32
        %dma_start3A_38 = tpu.memref_slice %arg8[%add3A_37, %dma_start3A] : memref<79x128xi32, #tpu.memory_space<vmem>> -> memref<1x128xi32, #tpu.memory_space<vmem>>
        %dma_start3A_39 = tpu.memref_squeeze %dma_start3A_38 : memref<1x128xi32, #tpu.memory_space<vmem>> -> memref<128xi32, #tpu.memory_space<vmem>>
        %dma_start3A_40 = arith.constant 0 : i32
        %dma_start3A_41 = arith.constant 0 : i32
        %dma_start3A_42 = tpu.memref_slice %arg10[%dma_start3A_40, %dma_start3A_41] : memref<10240x128xf32, #tpu.memory_space<vmem_shared>> -> memref<10240x128xf32, #tpu.memory_space<vmem_shared>>
        tpu.enqueue_indirect_dma source(%arg9 : memref<128x128xf32, #tpu.memory_space<vmem>>) target(%dma_start3A_42 : memref<10240x128xf32, #tpu.memory_space<vmem_shared>>) offsets(%dma_start3A_39 : memref<128xi32, #tpu.memory_space<vmem>>) semaphore(%run_scoped3A : memref<!tpu.dma_semaphore, #tpu.memory_space<semaphore_mem>>) {add = true}
        %dma_wait3A = arith.constant 0 : i32
        %dma_wait3A_43 = tpu.memref_slice %arg8[%add3A_37, %dma_wait3A] : memref<79x128xi32, #tpu.memory_space<vmem>> -> memref<1x128xi32, #tpu.memory_space<vmem>>
        %dma_wait3A_44 = tpu.memref_squeeze %dma_wait3A_43 : memref<1x128xi32, #tpu.memory_space<vmem>> -> memref<128xi32, #tpu.memory_space<vmem>>
        %dma_wait3A_45 = arith.constant 0 : i32
        %dma_wait3A_46 = arith.constant 0 : i32
        %dma_wait3A_47 = tpu.memref_slice %arg10[%dma_wait3A_45, %dma_wait3A_46] : memref<10240x128xf32, #tpu.memory_space<vmem_shared>> -> memref<10240x128xf32, #tpu.memory_space<vmem_shared>>
        tpu.wait_indirect_dma semaphore(%run_scoped3A : memref<!tpu.dma_semaphore, #tpu.memory_space<semaphore_mem>>) src(%arg9 : memref<128x128xf32, #tpu.memory_space<vmem>>) dst(%dma_wait3A_47 : memref<10240x128xf32, #tpu.memory_space<vmem_shared>>)
        tpu.yield
      }) : () -> ()
    }
    %scan3A_24 = arith.constant 79 : i32
    %barrier3A_25 = arith.constant 0 : index
    tpu.barrier barrier_id(%barrier3A_25)
    %eq3A = arith.constant 0 : i32
    %eq3A_26 = arith.cmpi eq, %arg0, %eq3A : i32
    %convert_element_type3A = arith.extui %eq3A_26 : i1 to i32
    %cond3A = arith.constant 0 : i32
    %cond3A_27 = arith.cmpi ne, %convert_element_type3A, %cond3A : i32
    scf.if %cond3A_27 {
      %mul3A_33 = arith.constant 640 : i32
      %mul3A_34 = arith.muli %arg1, %mul3A_33 : i32
      %mul3A_35 = arith.constant 640 : i32
      %mul3A_36 = arith.muli %arg1, %mul3A_35 : i32
      %run_scoped3A = arith.constant 0 : i32
      "tpu.region"() ({
        %run_scoped3A_37 = tpu.sem_alloc : memref<!tpu.dma_semaphore, #tpu.memory_space<semaphore_mem>>
        %dma_start3A = arith.constant 0 : i32
        %dma_start3A_38 = arith.constant 0 : i32
        %dma_start3A_39 = tpu.memref_slice %arg6[%run_scoped3A, %dma_start3A, %dma_start3A_38] : memref<2x10240x128xf32, #tpu.memory_space<hbm>> -> memref<1x10240x128xf32, #tpu.memory_space<hbm>>
        %dma_start3A_40 = tpu.memref_squeeze %dma_start3A_39 : memref<1x10240x128xf32, #tpu.memory_space<hbm>> -> memref<10240x128xf32, #tpu.memory_space<hbm>>
        %dma_start3A_41 = arith.constant 0 : i32
        %dma_start3A_42 = tpu.memref_slice %dma_start3A_40[%mul3A_36, %dma_start3A_41] : memref<10240x128xf32, #tpu.memory_space<hbm>> -> memref<640x128xf32, #tpu.memory_space<hbm>>
        %dma_start3A_43 = arith.constant 0 : i32
        %dma_start3A_44 = tpu.memref_slice %arg10[%mul3A_34, %dma_start3A_43] : memref<10240x128xf32, #tpu.memory_space<vmem_shared>> -> memref<640x128xf32, #tpu.memory_space<vmem_shared>>
        tpu.enqueue_dma source(%dma_start3A_44 : memref<640x128xf32, #tpu.memory_space<vmem_shared>>) target(%dma_start3A_42 : memref<640x128xf32, #tpu.memory_space<hbm>>) target_semaphore(%run_scoped3A_37 : memref<!tpu.dma_semaphore, #tpu.memory_space<semaphore_mem>>)
        %dma_wait3A = arith.constant 0 : i32
        %dma_wait3A_45 = arith.constant 0 : i32
        %dma_wait3A_46 = tpu.memref_slice %arg6[%run_scoped3A, %dma_wait3A, %dma_wait3A_45] : memref<2x10240x128xf32, #tpu.memory_space<hbm>> -> memref<1x10240x128xf32, #tpu.memory_space<hbm>>
        %dma_wait3A_47 = tpu.memref_squeeze %dma_wait3A_46 : memref<1x10240x128xf32, #tpu.memory_space<hbm>> -> memref<10240x128xf32, #tpu.memory_space<hbm>>
        %dma_wait3A_48 = arith.constant 0 : i32
        %dma_wait3A_49 = tpu.memref_slice %dma_wait3A_47[%mul3A_36, %dma_wait3A_48] : memref<10240x128xf32, #tpu.memory_space<hbm>> -> memref<640x128xf32, #tpu.memory_space<hbm>>
        %dma_wait3A_50 = arith.constant 0 : i32
        %dma_wait3A_51 = tpu.memref_slice %arg10[%mul3A_34, %dma_wait3A_50] : memref<10240x128xf32, #tpu.memory_space<vmem_shared>> -> memref<640x128xf32, #tpu.memory_space<vmem_shared>>
        tpu.wait_dma2 semaphore(%run_scoped3A_37 : memref<!tpu.dma_semaphore, #tpu.memory_space<semaphore_mem>>) src(%dma_wait3A_51 : memref<640x128xf32, #tpu.memory_space<vmem_shared>>) dst(%dma_wait3A_49 : memref<640x128xf32, #tpu.memory_space<hbm>>)
        tpu.yield
      }) : () -> ()
    } else {
    }
    %eq3A_28 = arith.constant 1 : i32
    %eq3A_29 = arith.cmpi eq, %arg0, %eq3A_28 : i32
    %convert_element_type3A_30 = arith.extui %eq3A_29 : i1 to i32
    %cond3A_31 = arith.constant 0 : i32
    %cond3A_32 = arith.cmpi ne, %convert_element_type3A_30, %cond3A_31 : i32
    scf.if %cond3A_32 {
      %mul3A_33 = arith.constant 640 : i32
      %mul3A_34 = arith.muli %arg1, %mul3A_33 : i32
      %mul3A_35 = arith.constant 640 : i32
      %mul3A_36 = arith.muli %arg1, %mul3A_35 : i32
      %run_scoped3A = arith.constant 1 : i32
      "tpu.region"() ({
        %run_scoped3A_37 = tpu.sem_alloc : memref<!tpu.dma_semaphore, #tpu.memory_space<semaphore_mem>>
        %dma_start3A = arith.constant 0 : i32
        %dma_start3A_38 = arith.constant 0 : i32
        %dma_start3A_39 = tpu.memref_slice %arg6[%run_scoped3A, %dma_start3A, %dma_start3A_38] : memref<2x10240x128xf32, #tpu.memory_space<hbm>> -> memref<1x10240x128xf32, #tpu.memory_space<hbm>>
        %dma_start3A_40 = tpu.memref_squeeze %dma_start3A_39 : memref<1x10240x128xf32, #tpu.memory_space<hbm>> -> memref<10240x128xf32, #tpu.memory_space<hbm>>
        %dma_start3A_41 = arith.constant 0 : i32
        %dma_start3A_42 = tpu.memref_slice %dma_start3A_40[%mul3A_36, %dma_start3A_41] : memref<10240x128xf32, #tpu.memory_space<hbm>> -> memref<640x128xf32, #tpu.memory_space<hbm>>
        %dma_start3A_43 = arith.constant 0 : i32
        %dma_start3A_44 = tpu.memref_slice %arg10[%mul3A_34, %dma_start3A_43] : memref<10240x128xf32, #tpu.memory_space<vmem_shared>> -> memref<640x128xf32, #tpu.memory_space<vmem_shared>>
        tpu.enqueue_dma source(%dma_start3A_44 : memref<640x128xf32, #tpu.memory_space<vmem_shared>>) target(%dma_start3A_42 : memref<640x128xf32, #tpu.memory_space<hbm>>) target_semaphore(%run_scoped3A_37 : memref<!tpu.dma_semaphore, #tpu.memory_space<semaphore_mem>>)
        %dma_wait3A = arith.constant 0 : i32
        %dma_wait3A_45 = arith.constant 0 : i32
        %dma_wait3A_46 = tpu.memref_slice %arg6[%run_scoped3A, %dma_wait3A, %dma_wait3A_45] : memref<2x10240x128xf32, #tpu.memory_space<hbm>> -> memref<1x10240x128xf32, #tpu.memory_space<hbm>>
        %dma_wait3A_47 = tpu.memref_squeeze %dma_wait3A_46 : memref<1x10240x128xf32, #tpu.memory_space<hbm>> -> memref<10240x128xf32, #tpu.memory_space<hbm>>
        %dma_wait3A_48 = arith.constant 0 : i32
        %dma_wait3A_49 = tpu.memref_slice %dma_wait3A_47[%mul3A_36, %dma_wait3A_48] : memref<10240x128xf32, #tpu.memory_space<hbm>> -> memref<640x128xf32, #tpu.memory_space<hbm>>
        %dma_wait3A_50 = arith.constant 0 : i32
        %dma_wait3A_51 = tpu.memref_slice %arg10[%mul3A_34, %dma_wait3A_50] : memref<10240x128xf32, #tpu.memory_space<vmem_shared>> -> memref<640x128xf32, #tpu.memory_space<vmem_shared>>
        tpu.wait_dma2 semaphore(%run_scoped3A_37 : memref<!tpu.dma_semaphore, #tpu.memory_space<semaphore_mem>>) src(%dma_wait3A_51 : memref<640x128xf32, #tpu.memory_space<vmem_shared>>) dst(%dma_wait3A_49 : memref<640x128xf32, #tpu.memory_space<hbm>>)
        tpu.yield
      }) : () -> ()
    } else {
    }
    return
  }
}

module attributes {stable_mosaic.version = 14 : i64} {
  func.func @_tc1_body(%arg0: i32, %arg1: memref<1024x128xf32, #tpu.memory_space<vmem>>, %arg2: memref<128x128xf32, #tpu.memory_space<vmem>>, %arg3: memref<1024x1xf32, #tpu.memory_space<vmem>>, %arg4: memref<1024x128xf32, #tpu.memory_space<vmem>>, %arg5: memref<1024x128xf32, #tpu.memory_space<vmem>>, %arg6: memref<1024x1xf32, #tpu.memory_space<vmem>>) attributes {dimension_semantics = [#tpu.dimension_semantics<arbitrary>], iteration_bounds = array<i64: 10>, scalar_prefetch = 0 : i64, scratch_operands = 0 : i64, tpu.core_type = #tpu.core_type<tc>, window_params = [{transform_indices = @transform_0, window_bounds = array<i64: 1024, 128>}, {pipeline_mode = #tpu.pipeline_mode<synchronous>, transform_indices = @transform_1, window_bounds = array<i64: 128, 128>}, {transform_indices = @transform_2, window_bounds = array<i64: 1024, 1>}, {transform_indices = @transform_3, window_bounds = array<i64: 1024, 128>}, {transform_indices = @transform_4, window_bounds = array<i64: 1024, 128>}, {transform_indices = @transform_5, window_bounds = array<i64: 1024, 1>}]} {
    %get3A = arith.constant 0 : index
    %get3A_0 = arith.constant 0 : index
    %get3A_1 = vector.load %arg1[%get3A, %get3A_0] : memref<1024x128xf32, #tpu.memory_space<vmem>>, vector<1024x128xf32>
    %get3A_2 = arith.constant 0 : index
    %get3A_3 = arith.constant 0 : index
    %get3A_4 = vector.load %arg2[%get3A_2, %get3A_3] : memref<128x128xf32, #tpu.memory_space<vmem>>, vector<128x128xf32>
    %dot_general3A = arith.constant dense<0.000000e+00> : vector<1024x128xf32>
    %dot_general3A_5 = tpu.matmul %get3A_1, %get3A_4, %dot_general3A {dimension_numbers = #tpu.dot_dimension_numbers<[1], [1], [0], [0], [0, 0, 1, 0], [], []>, transpose_lhs_hint = false} : vector<1024x128xf32>, vector<128x128xf32>, vector<1024x128xf32> -> vector<1024x128xf32>
    %get3A_6 = arith.constant 0 : index
    %get3A_7 = arith.constant 0 : index
    %get3A_8 = vector.load %arg3[%get3A_6, %get3A_7] : memref<1024x1xf32, #tpu.memory_space<vmem>>, vector<1024x1xf32>
    %add3A = arith.constant 1.000000e+00 : f32
    %add3A_9 = vector.broadcast %add3A : f32 to vector<1024x1xf32>
    %add3A_10 = arith.addf %get3A_8, %add3A_9 : vector<1024x1xf32>
    %rsqrt3A = math.rsqrt %add3A_10 : vector<1024x1xf32>
    %swap3A = arith.constant 0 : index
    %swap3A_11 = arith.constant 0 : index
    %swap3A_12 = vector.load %arg6[%swap3A, %swap3A_11] : memref<1024x1xf32, #tpu.memory_space<vmem>>, vector<1024x1xf32>
    tpu.vector_store %arg6[%swap3A, %swap3A_11], %rsqrt3A {strides = array<i32>} : memref<1024x1xf32, #tpu.memory_space<vmem>>, vector<1024x1xf32>,
    %mul3A = vector.broadcast %rsqrt3A : vector<1024x1xf32> to vector<1024x128xf32>
    %mul3A_13 = arith.mulf %mul3A, %dot_general3A_5 : vector<1024x128xf32>
    %swap3A_14 = arith.constant 0 : index
    %swap3A_15 = arith.constant 0 : index
    %swap3A_16 = vector.load %arg4[%swap3A_14, %swap3A_15] : memref<1024x128xf32, #tpu.memory_space<vmem>>, vector<1024x128xf32>
    tpu.vector_store %arg4[%swap3A_14, %swap3A_15], %mul3A_13 {strides = array<i32>} : memref<1024x128xf32, #tpu.memory_space<vmem>>, vector<1024x128xf32>,
    %mul3A_17 = arith.mulf %rsqrt3A, %rsqrt3A : vector<1024x1xf32>
    %mul3A_18 = vector.broadcast %mul3A_17 : vector<1024x1xf32> to vector<1024x128xf32>
    %mul3A_19 = arith.mulf %mul3A_18, %dot_general3A_5 : vector<1024x128xf32>
    %swap3A_20 = arith.constant 0 : index
    %swap3A_21 = arith.constant 0 : index
    %swap3A_22 = vector.load %arg5[%swap3A_20, %swap3A_21] : memref<1024x128xf32, #tpu.memory_space<vmem>>, vector<1024x128xf32>
    tpu.vector_store %arg5[%swap3A_20, %swap3A_21], %mul3A_19 {strides = array<i32>} : memref<1024x128xf32, #tpu.memory_space<vmem>>, vector<1024x128xf32>,
    return
  }
  func.func @transform_0(%arg0: i32) -> (i32, i32) {
    %c0_i32 = arith.constant 0 : i32
    %c0_i32_0 = arith.constant 0 : i32
    return %arg0, %c0_i32 : i32, i32
  }
  func.func @transform_1(%arg0: i32) -> (i32, i32) {
    %c0_i32 = arith.constant 0 : i32
    %c0_i32_0 = arith.constant 0 : i32
    %c0_i32_1 = arith.constant 0 : i32
    return %c0_i32, %c0_i32_0 : i32, i32
  }
  func.func @transform_2(%arg0: i32) -> (i32, i32) {
    %c0_i32 = arith.constant 0 : i32
    %c0_i32_0 = arith.constant 0 : i32
    return %arg0, %c0_i32 : i32, i32
  }
  func.func @transform_3(%arg0: i32) -> (i32, i32) {
    %c0_i32 = arith.constant 0 : i32
    %c0_i32_0 = arith.constant 0 : i32
    return %arg0, %c0_i32 : i32, i32
  }
  func.func @transform_4(%arg0: i32) -> (i32, i32) {
    %c0_i32 = arith.constant 0 : i32
    %c0_i32_0 = arith.constant 0 : i32
    return %arg0, %c0_i32 : i32, i32
  }
  func.func @transform_5(%arg0: i32) -> (i32, i32) {
    %c0_i32 = arith.constant 0 : i32
    %c0_i32_0 = arith.constant 0 : i32
    return %arg0, %c0_i32 : i32, i32
  }
}

module attributes {stable_mosaic.version = 14 : i64} {
  func.func @_tc2_body(%arg0: i32, %arg1: memref<2x1024x128xf32, #tpu.memory_space<vmem>>, %arg2: memref<1024x128xf32, #tpu.memory_space<vmem>>, %arg3: memref<1024x1xf32, #tpu.memory_space<vmem>>, %arg4: memref<1x128xf32, #tpu.memory_space<vmem>>, %arg5: memref<128x128xf32, #tpu.memory_space<vmem>>, %arg6: memref<1024x128xf32, #tpu.memory_space<vmem>>, %arg7: memref<1024x128xf32, #tpu.memory_space<vmem>>) attributes {dimension_semantics = [#tpu.dimension_semantics<arbitrary>], iteration_bounds = array<i64: 10>, scalar_prefetch = 0 : i64, scratch_operands = 0 : i64, tpu.core_type = #tpu.core_type<tc>, window_params = [{transform_indices = @transform_0, window_bounds = array<i64: 2, 1024, 128>}, {transform_indices = @transform_1, window_bounds = array<i64: 1024, 128>}, {transform_indices = @transform_2, window_bounds = array<i64: 1024, 1>}, {pipeline_mode = #tpu.pipeline_mode<synchronous>, transform_indices = @transform_3, window_bounds = array<i64: 1, 128>}, {pipeline_mode = #tpu.pipeline_mode<synchronous>, transform_indices = @transform_4, window_bounds = array<i64: 128, 128>}, {transform_indices = @transform_5, window_bounds = array<i64: 1024, 128>}, {transform_indices = @transform_6, window_bounds = array<i64: 1024, 128>}]} {
    %get3A = arith.constant 0 : index
    %get3A_0 = arith.constant 0 : index
    %get3A_1 = arith.constant 0 : index
    %get3A_2 = vector.load %arg1[%get3A, %get3A_0, %get3A_1] : memref<2x1024x128xf32, #tpu.memory_space<vmem>>, vector<2x1024x128xf32>
    %get3A_3 = arith.constant 0 : index
    %get3A_4 = arith.constant 0 : index
    %get3A_5 = vector.load %arg3[%get3A_3, %get3A_4] : memref<1024x1xf32, #tpu.memory_space<vmem>>, vector<1024x1xf32>
    %slice3A = vector.extract_strided_slice %get3A_2 {offsets = [0, 0, 0], sizes = [1, 1024, 128], strides = [1, 1, 1]} : vector<2x1024x128xf32> to vector<1x1024x128xf32>
    %squeeze3A = vector.shape_cast %slice3A : vector<1x1024x128xf32> to vector<1024x128xf32>
    %slice3A_6 = vector.extract_strided_slice %get3A_2 {offsets = [1, 0, 0], sizes = [1, 1024, 128], strides = [1, 1, 1]} : vector<2x1024x128xf32> to vector<1x1024x128xf32>
    %squeeze3A_7 = vector.shape_cast %slice3A_6 : vector<1x1024x128xf32> to vector<1024x128xf32>
    %add3A = arith.addf %squeeze3A, %squeeze3A_7 : vector<1024x128xf32>
    %mul3A = vector.broadcast %get3A_5 : vector<1024x1xf32> to vector<1024x128xf32>
    %mul3A_8 = arith.mulf %mul3A, %add3A : vector<1024x128xf32>
    %get3A_9 = arith.constant 0 : index
    %get3A_10 = arith.constant 0 : index
    %get3A_11 = vector.load %arg2[%get3A_9, %get3A_10] : memref<1024x128xf32, #tpu.memory_space<vmem>>, vector<1024x128xf32>
    %add3A_12 = arith.addf %mul3A_8, %get3A_11 : vector<1024x128xf32>
    %get3A_13 = arith.constant 0 : index
    %get3A_14 = arith.constant 0 : index
    %get3A_15 = vector.load %arg4[%get3A_13, %get3A_14] : memref<1x128xf32, #tpu.memory_space<vmem>>, vector<1x128xf32>
    %add3A_16 = vector.broadcast %get3A_15 : vector<1x128xf32> to vector<1024x128xf32>
    %add3A_17 = arith.addf %add3A_12, %add3A_16 : vector<1024x128xf32>
    %max3A = arith.constant 0.000000e+00 : f32
    %max3A_18 = vector.broadcast %max3A : f32 to vector<1024x128xf32>
    %max3A_19 = arith.maximumf %add3A_17, %max3A_18 : vector<1024x128xf32>
    %get3A_20 = arith.constant 0 : index
    %get3A_21 = arith.constant 0 : index
    %get3A_22 = vector.load %arg5[%get3A_20, %get3A_21] : memref<128x128xf32, #tpu.memory_space<vmem>>, vector<128x128xf32>
    %dot_general3A = arith.constant dense<0.000000e+00> : vector<1024x128xf32>
    %dot_general3A_23 = tpu.matmul %max3A_19, %get3A_22, %dot_general3A {dimension_numbers = #tpu.dot_dimension_numbers<[1], [1], [0], [0], [0, 0, 1, 0], [], []>, transpose_lhs_hint = false} : vector<1024x128xf32>, vector<128x128xf32>, vector<1024x128xf32> -> vector<1024x128xf32>
    %mul3A_24 = vector.broadcast %get3A_5 : vector<1024x1xf32> to vector<1024x128xf32>
    %mul3A_25 = arith.mulf %mul3A_24, %dot_general3A_23 : vector<1024x128xf32>
    %swap3A = arith.constant 0 : index
    %swap3A_26 = arith.constant 0 : index
    %swap3A_27 = vector.load %arg6[%swap3A, %swap3A_26] : memref<1024x128xf32, #tpu.memory_space<vmem>>, vector<1024x128xf32>
    tpu.vector_store %arg6[%swap3A, %swap3A_26], %mul3A_25 {strides = array<i32>} : memref<1024x128xf32, #tpu.memory_space<vmem>>, vector<1024x128xf32>,
    %mul3A_28 = arith.mulf %get3A_5, %get3A_5 : vector<1024x1xf32>
    %mul3A_29 = vector.broadcast %mul3A_28 : vector<1024x1xf32> to vector<1024x128xf32>
    %mul3A_30 = arith.mulf %mul3A_29, %dot_general3A_23 : vector<1024x128xf32>
    %swap3A_31 = arith.constant 0 : index
    %swap3A_32 = arith.constant 0 : index
    %swap3A_33 = vector.load %arg7[%swap3A_31, %swap3A_32] : memref<1024x128xf32, #tpu.memory_space<vmem>>, vector<1024x128xf32>
    tpu.vector_store %arg7[%swap3A_31, %swap3A_32], %mul3A_30 {strides = array<i32>} : memref<1024x128xf32, #tpu.memory_space<vmem>>, vector<1024x128xf32>,
    return
  }
  func.func @transform_0(%arg0: i32) -> (i32, i32, i32) {
    %c0_i32 = arith.constant 0 : i32
    %c0_i32_0 = arith.constant 0 : i32
    %c0_i32_1 = arith.constant 0 : i32
    return %c0_i32, %arg0, %c0_i32_0 : i32, i32, i32
  }
  func.func @transform_1(%arg0: i32) -> (i32, i32) {
    %c0_i32 = arith.constant 0 : i32
    %c0_i32_0 = arith.constant 0 : i32
    return %arg0, %c0_i32 : i32, i32
  }
  func.func @transform_2(%arg0: i32) -> (i32, i32) {
    %c0_i32 = arith.constant 0 : i32
    %c0_i32_0 = arith.constant 0 : i32
    return %arg0, %c0_i32 : i32, i32
  }
  func.func @transform_3(%arg0: i32) -> (i32, i32) {
    %c0_i32 = arith.constant 0 : i32
    %c0_i32_0 = arith.constant 0 : i32
    %c0_i32_1 = arith.constant 0 : i32
    return %c0_i32, %c0_i32_0 : i32, i32
  }
  func.func @transform_4(%arg0: i32) -> (i32, i32) {
    %c0_i32 = arith.constant 0 : i32
    %c0_i32_0 = arith.constant 0 : i32
    %c0_i32_1 = arith.constant 0 : i32
    return %c0_i32, %c0_i32_0 : i32, i32
  }
  func.func @transform_5(%arg0: i32) -> (i32, i32) {
    %c0_i32 = arith.constant 0 : i32
    %c0_i32_0 = arith.constant 0 : i32
    return %arg0, %c0_i32 : i32, i32
  }
  func.func @transform_6(%arg0: i32) -> (i32, i32) {
    %c0_i32 = arith.constant 0 : i32
    %c0_i32_0 = arith.constant 0 : i32
    return %arg0, %c0_i32 : i32, i32
  }
}

module attributes {stable_mosaic.version = 14 : i64} {
  func.func @_tc3_body(%arg0: i32, %arg1: memref<2x1024x128xf32, #tpu.memory_space<vmem>>, %arg2: memref<1024x128xf32, #tpu.memory_space<vmem>>, %arg3: memref<1024x1xf32, #tpu.memory_space<vmem>>, %arg4: memref<1x128xf32, #tpu.memory_space<vmem>>, %arg5: memref<16x128xf32, #tpu.memory_space<vmem>>, %arg6: memref<1x16xf32, #tpu.memory_space<vmem>>, %arg7: memref<1024x16xf32, #tpu.memory_space<vmem>>) attributes {dimension_semantics = [#tpu.dimension_semantics<arbitrary>], iteration_bounds = array<i64: 10>, scalar_prefetch = 0 : i64, scratch_operands = 0 : i64, tpu.core_type = #tpu.core_type<tc>, window_params = [{transform_indices = @transform_0, window_bounds = array<i64: 2, 1024, 128>}, {transform_indices = @transform_1, window_bounds = array<i64: 1024, 128>}, {transform_indices = @transform_2, window_bounds = array<i64: 1024, 1>}, {pipeline_mode = #tpu.pipeline_mode<synchronous>, transform_indices = @transform_3, window_bounds = array<i64: 1, 128>}, {pipeline_mode = #tpu.pipeline_mode<synchronous>, transform_indices = @transform_4, window_bounds = array<i64: 16, 128>}, {pipeline_mode = #tpu.pipeline_mode<synchronous>, transform_indices = @transform_5, window_bounds = array<i64: 1, 16>}, {transform_indices = @transform_6, window_bounds = array<i64: 1024, 16>}]} {
    %get3A = arith.constant 0 : index
    %get3A_0 = arith.constant 0 : index
    %get3A_1 = arith.constant 0 : index
    %get3A_2 = vector.load %arg1[%get3A, %get3A_0, %get3A_1] : memref<2x1024x128xf32, #tpu.memory_space<vmem>>, vector<2x1024x128xf32>
    %get3A_3 = arith.constant 0 : index
    %get3A_4 = arith.constant 0 : index
    %get3A_5 = vector.load %arg3[%get3A_3, %get3A_4] : memref<1024x1xf32, #tpu.memory_space<vmem>>, vector<1024x1xf32>
    %slice3A = vector.extract_strided_slice %get3A_2 {offsets = [0, 0, 0], sizes = [1, 1024, 128], strides = [1, 1, 1]} : vector<2x1024x128xf32> to vector<1x1024x128xf32>
    %squeeze3A = vector.shape_cast %slice3A : vector<1x1024x128xf32> to vector<1024x128xf32>
    %slice3A_6 = vector.extract_strided_slice %get3A_2 {offsets = [1, 0, 0], sizes = [1, 1024, 128], strides = [1, 1, 1]} : vector<2x1024x128xf32> to vector<1x1024x128xf32>
    %squeeze3A_7 = vector.shape_cast %slice3A_6 : vector<1x1024x128xf32> to vector<1024x128xf32>
    %add3A = arith.addf %squeeze3A, %squeeze3A_7 : vector<1024x128xf32>
    %mul3A = vector.broadcast %get3A_5 : vector<1024x1xf32> to vector<1024x128xf32>
    %mul3A_8 = arith.mulf %mul3A, %add3A : vector<1024x128xf32>
    %get3A_9 = arith.constant 0 : index
    %get3A_10 = arith.constant 0 : index
    %get3A_11 = vector.load %arg2[%get3A_9, %get3A_10] : memref<1024x128xf32, #tpu.memory_space<vmem>>, vector<1024x128xf32>
    %add3A_12 = arith.addf %mul3A_8, %get3A_11 : vector<1024x128xf32>
    %get3A_13 = arith.constant 0 : index
    %get3A_14 = arith.constant 0 : index
    %get3A_15 = vector.load %arg4[%get3A_13, %get3A_14] : memref<1x128xf32, #tpu.memory_space<vmem>>, vector<1x128xf32>
    %add3A_16 = vector.broadcast %get3A_15 : vector<1x128xf32> to vector<1024x128xf32>
    %add3A_17 = arith.addf %add3A_12, %add3A_16 : vector<1024x128xf32>
    %max3A = arith.constant 0.000000e+00 : f32
    %max3A_18 = vector.broadcast %max3A : f32 to vector<1024x128xf32>
    %max3A_19 = arith.maximumf %add3A_17, %max3A_18 : vector<1024x128xf32>
    %get3A_20 = arith.constant 0 : index
    %get3A_21 = arith.constant 0 : index
    %get3A_22 = vector.load %arg5[%get3A_20, %get3A_21] : memref<16x128xf32, #tpu.memory_space<vmem>>, vector<16x128xf32>
    %dot_general3A = arith.constant dense<0.000000e+00> : vector<1024x16xf32>
    %dot_general3A_23 = tpu.matmul %max3A_19, %get3A_22, %dot_general3A {dimension_numbers = #tpu.dot_dimension_numbers<[1], [1], [0], [0], [0, 0, 1, 0], [], []>, transpose_lhs_hint = false} : vector<1024x128xf32>, vector<16x128xf32>, vector<1024x16xf32> -> vector<1024x16xf32>
    %get3A_24 = arith.constant 0 : index
    %get3A_25 = arith.constant 0 : index
    %get3A_26 = vector.load %arg6[%get3A_24, %get3A_25] : memref<1x16xf32, #tpu.memory_space<vmem>>, vector<1x16xf32>
    %add3A_27 = vector.broadcast %get3A_26 : vector<1x16xf32> to vector<1024x16xf32>
    %add3A_28 = arith.addf %dot_general3A_23, %add3A_27 : vector<1024x16xf32>
    %swap3A = arith.constant 0 : index
    %swap3A_29 = arith.constant 0 : index
    %swap3A_30 = vector.load %arg7[%swap3A, %swap3A_29] : memref<1024x16xf32, #tpu.memory_space<vmem>>, vector<1024x16xf32>
    tpu.vector_store %arg7[%swap3A, %swap3A_29], %add3A_28 {strides = array<i32>} : memref<1024x16xf32, #tpu.memory_space<vmem>>, vector<1024x16xf32>,
    return
  }
  func.func @transform_0(%arg0: i32) -> (i32, i32, i32) {
    %c0_i32 = arith.constant 0 : i32
    %c0_i32_0 = arith.constant 0 : i32
    %c0_i32_1 = arith.constant 0 : i32
    return %c0_i32, %arg0, %c0_i32_0 : i32, i32, i32
  }
  func.func @transform_1(%arg0: i32) -> (i32, i32) {
    %c0_i32 = arith.constant 0 : i32
    %c0_i32_0 = arith.constant 0 : i32
    return %arg0, %c0_i32 : i32, i32
  }
  func.func @transform_2(%arg0: i32) -> (i32, i32) {
    %c0_i32 = arith.constant 0 : i32
    %c0_i32_0 = arith.constant 0 : i32
    return %arg0, %c0_i32 : i32, i32
  }
  func.func @transform_3(%arg0: i32) -> (i32, i32) {
    %c0_i32 = arith.constant 0 : i32
    %c0_i32_0 = arith.constant 0 : i32
    %c0_i32_1 = arith.constant 0 : i32
    return %c0_i32, %c0_i32_0 : i32, i32
  }
  func.func @transform_4(%arg0: i32) -> (i32, i32) {
    %c0_i32 = arith.constant 0 : i32
    %c0_i32_0 = arith.constant 0 : i32
    %c0_i32_1 = arith.constant 0 : i32
    return %c0_i32, %c0_i32_0 : i32, i32
  }
  func.func @transform_5(%arg0: i32) -> (i32, i32) {
    %c0_i32 = arith.constant 0 : i32
    %c0_i32_0 = arith.constant 0 : i32
    %c0_i32_1 = arith.constant 0 : i32
    return %c0_i32, %c0_i32_0 : i32, i32
  }
  func.func @transform_6(%arg0: i32) -> (i32, i32) {
    %c0_i32 = arith.constant 0 : i32
    %c0_i32_0 = arith.constant 0 : i32
    return %arg0, %c0_i32 : i32, i32
  }
}

</mosaic_0001>

<sc_bundles>
// kernel: kernel.11.cloned.1.call-start
scs
__scs_entry_jumppad:
0x0: {  	(pc) =	sbr.rel $0x88, $3  }
0x1: {  	(tag) =	ssettag $0x0;
	lr =	simm.s32 $0x1  }
0x2: {  	[smem:$0x3F99] =	sst lr;
	_ =	strace $0xD0000000  }
0x3: {  	_ = 	snop  }
0x4: {  	_ = 	snop  }
0x5: {  	_ = 	snop  }
0x6: {  	_ = 	snop  }
0x7: {  	_ = 	snop  }
__scs_overlays_trampoline_lowered:
0x8: {  	[smem:$0x3FA8] =	sst s0  }
0x9: {  	[smem:$0x3FA9] =	sst s1  }
0xa: {  	[smem:$0x3FAA] =	sst s2  }
0xb: {  	[smem:$0x3FAB] =	sst s3  }
0xc: {  	[smem:$0x3FAC] =	sst s4  }
0xd: {  	[smem:$0x3FAD] =	sst s5  }
0xe: {  	[smem:$0x3FAE] =	sst s6  }
0xf: {  	[smem:$0x3FAF] =	sst s7  }
0x10: {  	[smem:$0x3FB0] =	sst s8  }
0x11: {  	[smem:$0x3FB1] =	sst s9;
	s0 =	simm.s32 @!p0 $0x0  }
0x12: {  	s1 =	sld [smem:$0x3F97];
	s0 =	simm.s32 @p0 $0x1  }
0x13: {  	[smem:$0x3FB2] =	sst s0;
	s0 =	simm.s32 @!p1 $0x0  }
0x14: {  	s2 =	sld [smem:$0x3F96];
	s0 =	simm.s32 @p1 $0x1  }
0x15: {  	[smem:$0x3FB3] =	sst s0;
	s0 =	simm.s32 @!p2 $0x0  }
0x16: {  	s3 =	sld [smem:$0x3FDB];
	s0 =	simm.s32 @p2 $0x1  }
0x17: {  	s4 =	simm.s32 $0x1BF5;
	[smem:$0x3FB5] =	sst s0  }
0x18: {  	s0 =	sld [smem:$0x3F98];
	_ =	swait.ge [sflag:s4], $0x0  }
0x19: {  	s7 =	sld [smem:$0x3F99]  }
0x1a: {  	s8 =	sadd.s32 $0xFFFFE003, lr  }
0x1b: {  	s9 =	sadd.s32 $0xFFFFFEF7, lr;
	s5 =	simm.s32 $0xFFFFFFFF;
	p2 =	slt.u32 s8, $0xFFFFF086  }
0x1c: {  	p1 =	slt.u32 s9, $0xF7A;
	s5 =	simm.s32 @!p2 $0x0  }
0x1d: {  	s5 =	simm.s32 @p1 $0x1;
	p0 =	seq.s32 s7, s2  }
0x1e: {  	s7 =	smul.u32 @!p0 $0xF7A, s2;
	p2 =	seq.s32 @!p0 s5, $0x0  }
0x1f: {  	s9 =	smul.u32 $0xF7A, s1;
	s8 =	simm.s32 @!p0 $0x1BF5;
	p2 =	por !p2, p0  }
0x20: {  	[sflag:s8] =	ssyncset.s32 @!p0 $0xFFFFF086;
	s6 =	sadd.s32 @!p0 s3, s7;
	s7 =	simm.s32 @!p0 $0x108  }
0x21: {  	s3 =	sadd.s32 s3, s9;
	s6 =	sadd.s32 @!p0 $0x88, s6;
	s7 =	simm.s32 @p2 $0x1082  }
0x22: {  	[simem:s7], [sflag:s8] =	dma.local @!p0 [hbm:s6], $0xF7A  }
0x23: {  	s9 =	sor.u32 $0xD0000000, s2;
	s6 =	simm.s32 $0x108;
	_ =	swait.ge @!p0 [sflag:s8], $0x0  }
0x24: {  	s3 =	sadd.s32 $0x88, s3;
	s6 =	simm.s32 @!p1 $0x1082;
	[sflag:s4] =	ssyncset.s32 $0xFFFFF086  }
0x25: {  	[simem:s6], [sflag:s4] =	dma.local [hbm:s3], $0xF7A  }
0x26: {  	[smem:$0x3F99] =	sst s1;
	(tag) =	ssettag s2;
	_ =	strace s9  }
0x27: {  	s1 =	sld [smem:$0x3FA9]  }
0x28: {  	s2 =	sld [smem:$0x3FAA]  }
0x29: {  	s4 =	sld [smem:$0x3FAC]  }
0x2a: {  	p0 =	seq.s32 s5, $0x0;
	s5 =	sld [smem:$0x3FAD]  }
0x2b: {  	s6 =	sld [smem:$0x3FAE]  }
0x2c: {  	s7 =	sld [smem:$0x3FAF]  }
0x2d: {  	s3 =	simm.s32 $0x108;
	s8 =	sld [smem:$0x3FB0]  }
0x2e: {  	s3 =	simm.s32 @!p0 $0x1082;
	s9 =	sld [smem:$0x3FB1]  }
0x2f: {  	lr =	sadd.s32 s0, s3;
	s0 =	sld [smem:$0x3FA8]  }
0x30: {  	s3 =	sld [smem:$0x3FAB]  }
0x31: {  	[smem:$0x3FB4] =	sst s10  }
0x32: {  	s10 =	sld [smem:$0x3FB2];
	_ =	sdelay $0x3  }
0x33: {  	p0 =	seq.s32 s10, $0x1;
	s10 =	sld [smem:$0x3FB4];
	_ =	sdelay $0x3  }
0x34: {  	[smem:$0x3FB4] =	sst s10  }
0x35: {  	s10 =	sld [smem:$0x3FB3];
	_ =	sdelay $0x3  }
0x36: {  	p1 =	seq.s32 s10, $0x1;
	s10 =	sld [smem:$0x3FB4];
	_ =	sdelay $0x3  }
0x37: {  	[smem:$0x3FB4] =	sst s10  }
0x38: {  	s10 =	sld [smem:$0x3FB5]  }
0x39: {  	_ = 	snop;
	(pc) =	sbr.ind lr, $3  }
0x3a: {  	_ = 	snop  }
0x3b: {  	_ = 	snop  }
0x3c: {  	p2 =	seq.s32 s10, $0x1;
	s10 =	sld [smem:$0x3FB4]  }
0x3d: {  	_ =	shalt  }
0x3e: {  	_ =	shalt  }
0x3f: {  	_ =	shalt  }
0x40: {  	_ =	shalt  }
0x41: {  	_ =	shalt  }
0x42: {  	_ =	shalt  }
0x43: {  	_ =	shalt  }
0x44: {  	_ =	shalt  }
0x45: {  	_ =	shalt  }
0x46: {  	_ =	shalt  }
0x47: {  	_ =	shalt  }
0x48: {  	_ =	shalt  }
0x49: {  	_ =	shalt  }
0x4a: {  	_ =	shalt  }
0x4b: {  	_ =	shalt  }
0x4c: {  	_ =	shalt  }
0x4d: {  	_ =	shalt  }
0x4e: {  	_ =	shalt  }
0x4f: {  	_ =	shalt  }
0x50: {  	_ =	shalt  }
0x51: {  	_ =	shalt  }
0x52: {  	_ =	shalt  }
0x53: {  	_ =	shalt  }
0x54: {  	_ =	shalt  }
0x55: {  	_ =	shalt  }
0x56: {  	_ =	shalt  }
0x57: {  	_ =	shalt  }
0x58: {  	_ =	shalt  }
0x59: {  	_ =	shalt  }
0x5a: {  	_ =	shalt  }
0x5b: {  	_ =	shalt  }
0x5c: {  	_ =	shalt  }
0x5d: {  	_ =	shalt  }
0x5e: {  	_ =	shalt  }
0x5f: {  	_ =	shalt  }
0x60: {  	_ =	shalt  }
0x61: {  	_ =	shalt  }
0x62: {  	_ =	shalt  }
0x63: {  	_ =	shalt  }
0x64: {  	_ =	shalt  }
0x65: {  	_ =	shalt  }
0x66: {  	_ =	shalt  }
0x67: {  	_ =	shalt  }
0x68: {  	_ =	shalt  }
0x69: {  	_ =	shalt  }
0x6a: {  	_ =	shalt  }
0x6b: {  	_ =	shalt  }
0x6c: {  	_ =	shalt  }
0x6d: {  	_ =	shalt  }
0x6e: {  	_ =	shalt  }
0x6f: {  	_ =	shalt  }
0x70: {  	_ =	shalt  }
0x71: {  	_ =	shalt  }
0x72: {  	_ =	shalt  }
0x73: {  	_ =	shalt  }
0x74: {  	_ =	shalt  }
0x75: {  	_ =	shalt  }
0x76: {  	_ =	shalt  }
0x77: {  	_ =	shalt  }
0x78: {  	_ =	shalt  }
0x79: {  	_ =	shalt  }
0x7a: {  	_ =	shalt  }
0x7b: {  	_ =	shalt  }
0x7c: {  	_ =	shalt  }
0x7d: {  	_ =	shalt  }
0x7e: {  	_ =	shalt  }
0x7f: {  	_ =	shalt  }
0x80: {  	_ =	shalt  }
0x81: {  	_ =	shalt  }
0x82: {  	_ =	shalt  }
0x83: {  	_ =	shalt  }
0x84: {  	_ =	shalt  }
0x85: {  	_ =	shalt  }
0x86: {  	_ =	shalt  }
0x87: {  	_ =	shalt  }
.Lfunc_end0:
.L_simem_size_0:
called_computation.1_lowered:
.L_overlay_start_0:
0x88: {  	s2 =	sld [smem:$0x3FD9]  }
0x89: {  	s3 =	sld [smem:$0x3FFE];
	_ =	sdelay $0x1  }
0x8a: {  	s1 =	srdreg.scid  }
0x8b: {  	s0 =	sand.u32 $0x1, s1  }
0x8c: {  	s17 =	sshll.u32 s0, $0xA;
	s2 =	sadd.s32 s3, s2  }
0x8d: {  	s2 =	sadd.s32 s2, s17  }
0x8e: {  	[smem:$0x3FC0] =	sst s2  }
0x8f: {  	_ = 	snop  }
0x90: {  	s2 =	sld [smem:$0x3FD0];
	(tm) =	ssettm $0x1  }
0x91: {  	s18 =	sld [smem:$0x3FFB];
	_ =	sdelay $0x3  }
0x92: {  	_ =	strace s18  }
0x93: {  	s3 =	sld [smem:$0x3FFC];
	_ =	sdelay $0x3  }
0x94: {  	_ =	strace s3  }
0x95: {  	s3 =	sld [smem:$0x3FFD];
	_ =	sdelay $0x3  }
0x96: {  	_ =	strace s3  }
0x97: {  	_ =	strace $0x8FFFFFFF  }
0x98: {  	s19 =	sld [smem:$0x3FDB];
	_ =	sdelay $0x1  }
0x99: {  	s4 =	simm.s32 $_scs_section_size  }
0x9a: {  	s5 =	simm.s32 $_size__tile_overlayer_lowered;
	s6 =	simm.s32 $_tile_overlayer_lowered  }
0x9b: {  	s22 =	simm.s32 $0x1BFF;
	s21 =	sshll.u32 s6, $0x1;
	s3 =	sadd.s32 s4, s19  }
0x9c: {  	s7 =	simm.s32 $0x0;
	s20 =	sshll.u32 s5, $0x1;
	s5 =	sadd.s32 s21, s3  }
0x9d: {  	[timem:s7], [sflag:s22] =	dma.local [hbm:s5], s20  }
0x9e: {  	_ =	swait.ge [sflag:s22], s20  }
0x9f: {  	s4 =	ssub.s32 $0x0, s20;
	[sflag:s22] =	ssyncset.done $0x0  }
0xa0: {  	[sflag:s22] =	ssyncadd.s32 s4;
	_ =	sdelay $0x1  }
0xa1: {  	s23 =	simm.s32 $0x1B8B  }
0xa2: {  	_ =	swait.ge [sflag:s23], $0x1  }
0xa3: {  	[sflag:s23] =	ssyncset.done $0x0  }
0xa4: {  	s25 =	simm.s32 $0x1B8E;
	s24 =	sld [smem:$0x3FFE];
	[sflag:s23] =	ssyncadd.s32 $0xFFFFFFFF  }
0xa5: {  	s26 =	simm.s32 $execute0_lowered;
	[smem:$0x3FD2] =	sst s25  }
0xa6: {  	s5 =	sshll.u32 s26, $0x1;
	_ =	strace $0x80000049;
	[dreg:$0x1] =	wrdreg $0xFFFFFFFF  }
0xa7: {  	s28 =	simm.s32 $_size_execute0_lowered;
	s3 =	sadd.s32 s3, s5;
	[dreg:$0x0] =	wrdreg $0x0  }
0xa8: {  	s5 =	sshll.u32 s28, $0x1;
	[dreg:$0x2] =	wrdreg s3  }
0xa9: {  	[dreg:$0x3] =	wrdreg s5  }
0xaa: {  	[dreg:$0x4] =	wrdreg $0xC0  }
0xab: {  	_ =	task [dreg:s7], $0x5FFFF  }
0xac: {  	[dreg:$0x1] =	wrdreg $0xFFFFFFFF  }
0xad: {  	[dreg:$0x0] =	wrdreg $0x60  }
0xae: {  	[dreg:$0x2] =	wrdreg s24  }
0xaf: {  	[dreg:$0x3] =	wrdreg s2  }
0xb0: {  	[dreg:$0x4] =	wrdreg $0x90000  }
0xb1: {  	[dreg:$0x5] =	wrdreg $0x9  }
0xb2: {  	_ =	task.clear_ibuf [dreg:s7], $0x6FFFF;
	_ =	strace $0x90000049  }
0xb3: {  	s29 =	simm.s32 $0x9;
	_ =	strace $0x8000004B  }
0xb4: {  	_ =	swait.ge [sflag:s29], $0x1  }
0xb5: {  	[sflag:s29] =	ssyncadd.s32 $0xFFFFFFFF  }
0xb6: {  	_ =	strace $0x9000004B  }
0xb7: {  	_ =	sfence  }
0xb8: {  	s30 =	sld [smem:$0x0];
	_ =	sdelay $0x2  }
0xb9: {  	s31 =	sshll.u32 s1, $0xD;
	s1 =	sshrl.u32 s1, $0x2  }
0xba: {  	s3 =	sand.u32 $0x4000, s31;
	s1 =	sadd.s32 s1, s30  }
0xbb: {  	s0 =	sor.u32 s3, s0;
	s1 =	sshll.u32 s1, $0x11  }
0xbc: {  	s0 =	sor.u32 s1, s0  }
0xbd: {  	s0 =	sadd.s32 $0x8F2B, s0  }
0xbe: {  	[sflag:s0] =	ssyncadd.remote.s32 $0x1  }
0xbf: {  	_ =	sfence.sel $0xFFFF  }
0xc0: {  	[dreg:$0x0] =	wrdreg $0xFFFFFFFF;
	(pc) =	sbr.abs _section_cstart, $3  }
0xc1: {  	[dreg:$0x1] =	wrdreg $0xFFFFFFFF  }
0xc2: {  	_ =	task.clear_ibuf [dreg:s7], $0x2FFFF;
	_ =	strace $0x9FFFFFFF  }
0xc3: {  	(tm) =	ssettm $0x7FFFFFFF  }
tec
execute0_lowered:
.L_overlay_start_1:
0x0: {  	(tag) =	ssettag $0x1  }
0x1: {  	s10 =	rddreg [dreg:$0x0]  }
0x2: {  	s2 =	rddreg [dreg:$0x1]  }
0x3: {  	s0 =	srdreg.scid;
	s3 =	rddreg [dreg:$0x2];
	s4 =	simm.s32 $0x0  }
0x4: {  	s18 =	simm.s32 $0x80;
	s9 =	sand.u32 $0x1, s0;
	s0 =	stileid.u32  }
0x5: {  	[smem:$0x7FF] =	sst s4;
	s5 =	sadd.s32 $0x20800, s10;
	s19 =	smul.u32 $0x2800, s0  }
0x6: {  	s20 =	sadd.s32 $0x70800, s10;
	s1 =	sshll.u32 s9, $0x4;
	s7 =	smul.u32 $0x50000, s0  }
0x7: {  	s30 =	ssub.s32 $0x2, s9;
	s31 =	sshll.u32 s0, $0x6;
	s1 =	sor.u32 s0, s1  }
0x8: {  	p0 =	seq.s32 s9, $0x1;
	s12 =	sshrl.u32 s30, $0x1;
	s6 =	smul.u32 $0x500, s1  }
0x9: {  	s1 =	rddreg [dreg:$0x3];
	_ =	strace $0x8000004A;
	s11 =	sadd.s32 s19, s10  }
0xa: {  	s7 =	sshrl.u32 s7, $0x2;
	s12 =	ssub.s32 s30, s12;
	s20 =	sadd.s32 @p0 s19, s20  }
0xb: {  	s19 =	simm.s32 $0x5000;
	s13 =	sadd.s32 s7, s3;
	s9 =	sadd.s32 $0x48800, s11  }
0xc: {  	s8 =	sadd.s32 s6, s10;
	s6 =	sor.u32 $0x1C01, s31;
	s14 =	sadd.s32 $0x4000, s13  }
0xd: {  	s15 =	sadd.s32 $0x8000, s13;
	s16 =	sadd.s32 $0xC000, s13;
	s17 =	sadd.s32 $0x10000, s13  }
0xe: {  	s10 =	smax.u32 s12, $0x1;
	s11 =	sshrl.u32 s13, $0x3;
	s12 =	simm.s32 $0x1  }
0xf: {  	s9 =	smov.u32 @p0 s20;
	s20 =	simm.s32 $0x0;
	s7 =	sadd.s32 $0x16800, s8  }
0x10: {  	s8 =	sadd.s32 $0xC800, s8;
	s13 =	sshrl.u32 s14, $0x3;
	s14 =	sshrl.u32 s15, $0x3  }
0x11: {  	s15 =	sshrl.u32 s16, $0x3;
	s16 =	sshrl.u32 s17, $0x3;
	s17 =	simm.s32 $0x2800  }
.LBB2_1:
0x12: {  	[spmem:s11], [sflag:s6] =	dma.local [hbm:s2], $0x800  }
0x13: {  	_ =	swait.ge [sflag:s12], $0x800  }
0x14: {  	[sflag:s12] =	ssyncset.done $0x0  }
0x15: {  	[sflag:s12] =	ssyncadd.s32 $0xFFFFF800  }
0x16: {  	[spmem:s13], [sflag:s6] =	dma.local [hbm:s2], $0x800  }
0x17: {  	_ =	swait.ge [sflag:s12], $0x800  }
0x18: {  	[sflag:s12] =	ssyncset.done $0x0  }
0x19: {  	[sflag:s12] =	ssyncadd.s32 $0xFFFFF800  }
0x1a: {  	[spmem:s14], [sflag:s6] =	dma.local [hbm:s2], $0x800  }
0x1b: {  	_ =	swait.ge [sflag:s12], $0x800  }
0x1c: {  	[sflag:s12] =	ssyncset.done $0x0  }
0x1d: {  	[sflag:s12] =	ssyncadd.s32 $0xFFFFF800  }
0x1e: {  	[spmem:s15], [sflag:s6] =	dma.local [hbm:s2], $0x800  }
0x1f: {  	_ =	swait.ge [sflag:s12], $0x800  }
0x20: {  	[sflag:s12] =	ssyncset.done $0x0  }
0x21: {  	[sflag:s12] =	ssyncadd.s32 $0xFFFFF800  }
0x22: {  	[spmem:s16], [sflag:s6] =	dma.local [hbm:s2], $0x800  }
0x23: {  	_ =	swait.ge [sflag:s12], $0x800  }
0x24: {  	[sflag:s12] =	ssyncset.done $0x0  }
0x25: {  	[sflag:s12] =	ssyncadd.s32 $0xFFFFF800  }
0x26: {  	[bflag:$0x0] =	sbarrier.arrive $0xFFFF  }
0x27: {  	[tilespmem:s4], [sflag:$0x1] =	stream.linear.gather [hbm4b:s7+s4], $0x2780, $0x38;
	[tilespmem:$0x1D000] =	vst v63  }
0x28: {  	_ =	swait.ge [sflag:s12], $0x2780  }
0x29: {  	[sflag:s12] =	ssyncset.done $0x0  }
0x2a: {  	[sflag:s12] =	ssyncadd.s32 $0xFFFFD880  }
0x2b: {  	[tilespmem:s17], [sflag:$0x1] =	stream.linear.gather [hbm4b:s8+s4], $0x2780, $0x38;
	[tilespmem:$0x1D000] =	vst v63  }
0x2c: {  	_ =	swait.ge [sflag:s12], $0x2780  }
0x2d: {  	[sflag:s12] =	ssyncset.done $0x0  }
0x2e: {  	s21 =	simm.s32 $0x0;
	[sflag:s12] =	ssyncadd.s32 $0xFFFFD880  }
0x2f: {  	[tilespmem:s19], [sflag:$0x1] =	stream.indirect.gather [hbm4b:s5+s18], $0x80, s21, s18, $0xb8;
	[tilespmem:$0x1D000] =	vst v63  }
0x30: {  	_ =	swait.ge [sflag:s12], $0x4000  }
0x31: {  	[sflag:s12] =	ssyncset.done $0x0  }
0x32: {  	s31 =	simm.s32 $0x2800;
	[sflag:s12] =	ssyncadd.s32 $0xFFFFC000  }
0x33: {  	[spmem:s3] =	stream.indirect.scatter.add.f32 [tilespmem:s19], [sflag:$0x1], $0x80, s31, s18, $0xb8;
	[tilespmem:$0x1D000] =	vst v63  }
0x34: {  	_ =	swait.ge [sflag:s12], $0x4000  }
0x35: {  	s22 =	simm.s32 $0x400;
	s21 =	simm.s32 $0x200;
	[sflag:s12] =	ssyncset.done $0x0  }
.LBB2_2:
0x36: {  	s23 =	sshra.s32 s21, $0x2  }
0x37: {  	[sflag:s12] =	ssyncadd.s32 $0xFFFFC000;
	s21 =	smov.u32 s22;
	s24 =	sadd.s32 $0x200, s22  }
0x38: {  	[tilespmem:s19], [sflag:$0x1] =	stream.indirect.gather [hbm4b:s5+s18], $0x80, s23, s18, $0xb8;
	[tilespmem:$0x1D000] =	vst v63  }
0x39: {  	p0 =	sne.s32 s22, $0x9C00;
	_ =	swait.ge [sflag:s12], $0x4000  }
.Ltmp0:
0x3a: {  	[sflag:s12] =	ssyncset.done $0x0;
	(pc) =	sbr.rel @p0 .LBB2_2-.Ltmp0, $4  }
0x3b: {  	s22 =	sadd.s32 $0x2800, s23;
	[sflag:s12] =	ssyncadd.s32 $0xFFFFC000  }
0x3c: {  	[spmem:s3] =	stream.indirect.scatter.add.f32 [tilespmem:s19], [sflag:$0x1], $0x80, s22, s18, $0xb8;
	[tilespmem:$0x1D000] =	vst v63  }
0x3d: {  	_ =	swait.ge [sflag:s12], $0x4000  }
0x3e: {  	s22 =	smov.u32 s24;
	[sflag:s12] =	ssyncset.done $0x0  }
0x3f: {  	s21 =	sshra.s32 s21, $0x2;
	[sflag:s12] =	ssyncadd.s32 $0xFFFFC000  }
0x40: {  	[tilespmem:s19], [sflag:$0x1] =	stream.indirect.gather [hbm4b:s5+s18], $0x80, s21, s18, $0xb8;
	[tilespmem:$0x1D000] =	vst v63  }
0x41: {  	_ =	swait.ge [sflag:s12], $0x4000  }
0x42: {  	[sflag:s12] =	ssyncset.done $0x0  }
0x43: {  	s21 =	sadd.s32 $0x2800, s21;
	[sflag:s12] =	ssyncadd.s32 $0xFFFFC000  }
0x44: {  	[spmem:s3] =	stream.indirect.scatter.add.f32 [tilespmem:s19], [sflag:$0x1], $0x80, s21, s18, $0xb8;
	[tilespmem:$0x1D000] =	vst v63  }
0x45: {  	_ =	swait.ge [sflag:s12], $0x4000  }
0x46: {  	s20 =	sadd.s32 $0x1, s20;
	[sflag:s12] =	ssyncset.done $0x0  }
0x47: {  	p0 =	sne.s32 s20, s10;
	[sflag:s12] =	ssyncadd.s32 $0xFFFFC000  }
.Ltmp1:
0x48: {  	[bflag:$0x0] =	sbarrier.arrive $0xFFFF;
	(pc) =	sbr.rel @p0 .LBB2_1-.Ltmp1, $4  }
0x49: {  	[hbm:s9], [sflag:s6] =	dma.local [spmem:s11], $0x2800  }
0x4a: {  	_ =	swait.ge [sflag:s12], $0x2800  }
0x4b: {  	[sflag:s12] =	ssyncset.done $0x0  }
0x4c: {  	[sflag:s12] =	ssyncadd.s32 $0xFFFFD800  }
0x4d: {  	_ =	sfence.sel $0x180000  }
0x4e: {  	[bflag:$0x0] =	sbarrier.arrive $0xFFFF  }
0x4f: {  	p0 =	sne.s32 s0, $0x0;
	_ =	strace $0x9000004A  }
0x50: {  	s0 =	sadd.s32 @!p0 $0x100000, s1;
	[bflag:$0x2] =	sbarrier.arrive $0xFFFF  }
0x51: {  	[sflag:s0] =	ssyncadd.tile.s32 @!p0 $0x1;
	_ =	shalt  }
.Lfunc_end2:
_tile_overlayer_lowered:
.L_overlay_start_2:
0x52: {  	(tag) =	ssettag $0x2  }
0x53: {  	s0 =	rddreg [dreg:$0x0];
	s2 =	stileid.u32  }
0x54: {  	s1 =	rddreg [dreg:$0x1];
	p0 =	sne.s32 s2, $0x0  }
0x55: {  	s3 =	rddreg [dreg:$0x2];
	[bflag:$0x3] =	sbarrier.arrive $0xFFFF;
	s2 =	simm.s32 @!p0 $0x1C01  }
0x56: {  	[timem:s3], [sflag:s2] =	dma.local @!p0 [hbm:s0], s1  }
0x57: {  	s0 =	simm.s32 @!p0 $0x1  }
0x58: {  	_ =	swait.ge @!p0 [sflag:s0], s1  }
0x59: {  	s1 =	ssub.s32 @!p0 $0x0, s1;
	[sflag:s0] =	ssyncset.done @!p0 $0x0  }
0x5a: {  	[sflag:s0] =	ssyncadd.s32 @!p0 s1  }
0x5b: {  	[bflag:$0x3] =	sbarrier.arrive $0xFFFF  }
0x5c: {  	_ =	shalt  }

// kernel: kernel.14.cloned.1.call-start
scs
__scs_entry_jumppad:
0x0: {  	(pc) =	sbr.rel $0x88, $3  }
0x1: {  	(tag) =	ssettag $0x0;
	lr =	simm.s32 $0x1  }
0x2: {  	[smem:$0x3F99] =	sst lr;
	_ =	strace $0xD0000000  }
0x3: {  	_ = 	snop  }
0x4: {  	_ = 	snop  }
0x5: {  	_ = 	snop  }
0x6: {  	_ = 	snop  }
0x7: {  	_ = 	snop  }
__scs_overlays_trampoline_lowered:
0x8: {  	[smem:$0x3FA8] =	sst s0  }
0x9: {  	[smem:$0x3FA9] =	sst s1  }
0xa: {  	[smem:$0x3FAA] =	sst s2  }
0xb: {  	[smem:$0x3FAB] =	sst s3  }
0xc: {  	[smem:$0x3FAC] =	sst s4  }
0xd: {  	[smem:$0x3FAD] =	sst s5  }
0xe: {  	[smem:$0x3FAE] =	sst s6  }
0xf: {  	[smem:$0x3FAF] =	sst s7  }
0x10: {  	[smem:$0x3FB0] =	sst s8  }
0x11: {  	[smem:$0x3FB1] =	sst s9;
	s0 =	simm.s32 @!p0 $0x0  }
0x12: {  	s1 =	sld [smem:$0x3F97];
	s0 =	simm.s32 @p0 $0x1  }
0x13: {  	[smem:$0x3FB2] =	sst s0;
	s0 =	simm.s32 @!p1 $0x0  }
0x14: {  	s2 =	sld [smem:$0x3F96];
	s0 =	simm.s32 @p1 $0x1  }
0x15: {  	[smem:$0x3FB3] =	sst s0;
	s0 =	simm.s32 @!p2 $0x0  }
0x16: {  	s3 =	sld [smem:$0x3FDB];
	s0 =	simm.s32 @p2 $0x1  }
0x17: {  	s4 =	simm.s32 $0x1BF5;
	[smem:$0x3FB5] =	sst s0  }
0x18: {  	s0 =	sld [smem:$0x3F98];
	_ =	swait.ge [sflag:s4], $0x0  }
0x19: {  	s7 =	sld [smem:$0x3F99]  }
0x1a: {  	s8 =	sadd.s32 $0xFFFFE003, lr  }
0x1b: {  	s9 =	sadd.s32 $0xFFFFFEF7, lr;
	s5 =	simm.s32 $0xFFFFFFFF;
	p2 =	slt.u32 s8, $0xFFFFF086  }
0x1c: {  	p1 =	slt.u32 s9, $0xF7A;
	s5 =	simm.s32 @!p2 $0x0  }
0x1d: {  	s5 =	simm.s32 @p1 $0x1;
	p0 =	seq.s32 s7, s2  }
0x1e: {  	s7 =	smul.u32 @!p0 $0xF7A, s2;
	p2 =	seq.s32 @!p0 s5, $0x0  }
0x1f: {  	s9 =	smul.u32 $0xF7A, s1;
	s8 =	simm.s32 @!p0 $0x1BF5;
	p2 =	por !p2, p0  }
0x20: {  	[sflag:s8] =	ssyncset.s32 @!p0 $0xFFFFF086;
	s6 =	sadd.s32 @!p0 s3, s7;
	s7 =	simm.s32 @!p0 $0x108  }
0x21: {  	s3 =	sadd.s32 s3, s9;
	s6 =	sadd.s32 @!p0 $0x88, s6;
	s7 =	simm.s32 @p2 $0x1082  }
0x22: {  	[simem:s7], [sflag:s8] =	dma.local @!p0 [hbm:s6], $0xF7A  }
0x23: {  	s9 =	sor.u32 $0xD0000000, s2;
	s6 =	simm.s32 $0x108;
	_ =	swait.ge @!p0 [sflag:s8], $0x0  }
0x24: {  	s3 =	sadd.s32 $0x88, s3;
	s6 =	simm.s32 @!p1 $0x1082;
	[sflag:s4] =	ssyncset.s32 $0xFFFFF086  }
0x25: {  	[simem:s6], [sflag:s4] =	dma.local [hbm:s3], $0xF7A  }
0x26: {  	[smem:$0x3F99] =	sst s1;
	(tag) =	ssettag s2;
	_ =	strace s9  }
0x27: {  	s1 =	sld [smem:$0x3FA9]  }
0x28: {  	s2 =	sld [smem:$0x3FAA]  }
0x29: {  	s4 =	sld [smem:$0x3FAC]  }
0x2a: {  	p0 =	seq.s32 s5, $0x0;
	s5 =	sld [smem:$0x3FAD]  }
0x2b: {  	s6 =	sld [smem:$0x3FAE]  }
0x2c: {  	s7 =	sld [smem:$0x3FAF]  }
0x2d: {  	s3 =	simm.s32 $0x108;
	s8 =	sld [smem:$0x3FB0]  }
0x2e: {  	s3 =	simm.s32 @!p0 $0x1082;
	s9 =	sld [smem:$0x3FB1]  }
0x2f: {  	lr =	sadd.s32 s0, s3;
	s0 =	sld [smem:$0x3FA8]  }
0x30: {  	s3 =	sld [smem:$0x3FAB]  }
0x31: {  	[smem:$0x3FB4] =	sst s10  }
0x32: {  	s10 =	sld [smem:$0x3FB2];
	_ =	sdelay $0x3  }
0x33: {  	p0 =	seq.s32 s10, $0x1;
	s10 =	sld [smem:$0x3FB4];
	_ =	sdelay $0x3  }
0x34: {  	[smem:$0x3FB4] =	sst s10  }
0x35: {  	s10 =	sld [smem:$0x3FB3];
	_ =	sdelay $0x3  }
0x36: {  	p1 =	seq.s32 s10, $0x1;
	s10 =	sld [smem:$0x3FB4];
	_ =	sdelay $0x3  }
0x37: {  	[smem:$0x3FB4] =	sst s10  }
0x38: {  	s10 =	sld [smem:$0x3FB5]  }
0x39: {  	_ = 	snop;
	(pc) =	sbr.ind lr, $3  }
0x3a: {  	_ = 	snop  }
0x3b: {  	_ = 	snop  }
0x3c: {  	p2 =	seq.s32 s10, $0x1;
	s10 =	sld [smem:$0x3FB4]  }
0x3d: {  	_ =	shalt  }
0x3e: {  	_ =	shalt  }
0x3f: {  	_ =	shalt  }
0x40: {  	_ =	shalt  }
0x41: {  	_ =	shalt  }
0x42: {  	_ =	shalt  }
0x43: {  	_ =	shalt  }
0x44: {  	_ =	shalt  }
0x45: {  	_ =	shalt  }
0x46: {  	_ =	shalt  }
0x47: {  	_ =	shalt  }
0x48: {  	_ =	shalt  }
0x49: {  	_ =	shalt  }
0x4a: {  	_ =	shalt  }
0x4b: {  	_ =	shalt  }
0x4c: {  	_ =	shalt  }
0x4d: {  	_ =	shalt  }
0x4e: {  	_ =	shalt  }
0x4f: {  	_ =	shalt  }
0x50: {  	_ =	shalt  }
0x51: {  	_ =	shalt  }
0x52: {  	_ =	shalt  }
0x53: {  	_ =	shalt  }
0x54: {  	_ =	shalt  }
0x55: {  	_ =	shalt  }
0x56: {  	_ =	shalt  }
0x57: {  	_ =	shalt  }
0x58: {  	_ =	shalt  }
0x59: {  	_ =	shalt  }
0x5a: {  	_ =	shalt  }
0x5b: {  	_ =	shalt  }
0x5c: {  	_ =	shalt  }
0x5d: {  	_ =	shalt  }
0x5e: {  	_ =	shalt  }
0x5f: {  	_ =	shalt  }
0x60: {  	_ =	shalt  }
0x61: {  	_ =	shalt  }
0x62: {  	_ =	shalt  }
0x63: {  	_ =	shalt  }
0x64: {  	_ =	shalt  }
0x65: {  	_ =	shalt  }
0x66: {  	_ =	shalt  }
0x67: {  	_ =	shalt  }
0x68: {  	_ =	shalt  }
0x69: {  	_ =	shalt  }
0x6a: {  	_ =	shalt  }
0x6b: {  	_ =	shalt  }
0x6c: {  	_ =	shalt  }
0x6d: {  	_ =	shalt  }
0x6e: {  	_ =	shalt  }
0x6f: {  	_ =	shalt  }
0x70: {  	_ =	shalt  }
0x71: {  	_ =	shalt  }
0x72: {  	_ =	shalt  }
0x73: {  	_ =	shalt  }
0x74: {  	_ =	shalt  }
0x75: {  	_ =	shalt  }
0x76: {  	_ =	shalt  }
0x77: {  	_ =	shalt  }
0x78: {  	_ =	shalt  }
0x79: {  	_ =	shalt  }
0x7a: {  	_ =	shalt  }
0x7b: {  	_ =	shalt  }
0x7c: {  	_ =	shalt  }
0x7d: {  	_ =	shalt  }
0x7e: {  	_ =	shalt  }
0x7f: {  	_ =	shalt  }
0x80: {  	_ =	shalt  }
0x81: {  	_ =	shalt  }
0x82: {  	_ =	shalt  }
0x83: {  	_ =	shalt  }
0x84: {  	_ =	shalt  }
0x85: {  	_ =	shalt  }
0x86: {  	_ =	shalt  }
0x87: {  	_ =	shalt  }
.Lfunc_end0:
.L_simem_size_0:
called_computation.2_lowered:
.L_overlay_start_0:
0x88: {  	s2 =	sld [smem:$0x3FD9]  }
0x89: {  	s3 =	sld [smem:$0x3FFE];
	_ =	sdelay $0x1  }
0x8a: {  	s1 =	srdreg.scid  }
0x8b: {  	s0 =	sand.u32 $0x1, s1  }
0x8c: {  	s17 =	sshll.u32 s0, $0xA;
	s2 =	sadd.s32 s3, s2  }
0x8d: {  	s2 =	sadd.s32 s2, s17  }
0x8e: {  	[smem:$0x3FC0] =	sst s2  }
0x8f: {  	_ = 	snop  }
0x90: {  	s2 =	sld [smem:$0x3FD0];
	(tm) =	ssettm $0x1  }
0x91: {  	s18 =	sld [smem:$0x3FFB];
	_ =	sdelay $0x3  }
0x92: {  	_ =	strace s18  }
0x93: {  	s3 =	sld [smem:$0x3FFC];
	_ =	sdelay $0x3  }
0x94: {  	_ =	strace s3  }
0x95: {  	s3 =	sld [smem:$0x3FFD];
	_ =	sdelay $0x3  }
0x96: {  	_ =	strace s3  }
0x97: {  	_ =	strace $0x8FFFFFFF  }
0x98: {  	s19 =	sld [smem:$0x3FDB];
	_ =	sdelay $0x1  }
0x99: {  	s4 =	simm.s32 $_scs_section_size  }
0x9a: {  	s5 =	simm.s32 $_size__tile_overlayer_lowered;
	s6 =	simm.s32 $_tile_overlayer_lowered  }
0x9b: {  	s22 =	simm.s32 $0x1BFF;
	s21 =	sshll.u32 s6, $0x1;
	s3 =	sadd.s32 s4, s19  }
0x9c: {  	s7 =	simm.s32 $0x0;
	s20 =	sshll.u32 s5, $0x1;
	s5 =	sadd.s32 s21, s3  }
0x9d: {  	[timem:s7], [sflag:s22] =	dma.local [hbm:s5], s20  }
0x9e: {  	_ =	swait.ge [sflag:s22], s20  }
0x9f: {  	s4 =	ssub.s32 $0x0, s20;
	[sflag:s22] =	ssyncset.done $0x0  }
0xa0: {  	[sflag:s22] =	ssyncadd.s32 s4;
	_ =	sdelay $0x1  }
0xa1: {  	s23 =	simm.s32 $0x1B8B  }
0xa2: {  	_ =	swait.ge [sflag:s23], $0x1  }
0xa3: {  	[sflag:s23] =	ssyncset.done $0x0  }
0xa4: {  	s25 =	simm.s32 $0x1B8E;
	s24 =	sld [smem:$0x3FFE];
	[sflag:s23] =	ssyncadd.s32 $0xFFFFFFFF  }
0xa5: {  	s26 =	simm.s32 $execute0_lowered;
	[smem:$0x3FD2] =	sst s25  }
0xa6: {  	s5 =	sshll.u32 s26, $0x1;
	_ =	strace $0x8000004C;
	[dreg:$0x1] =	wrdreg $0xFFFFFFFF  }
0xa7: {  	s28 =	simm.s32 $_size_execute0_lowered;
	s3 =	sadd.s32 s3, s5;
	[dreg:$0x0] =	wrdreg $0x0  }
0xa8: {  	s5 =	sshll.u32 s28, $0x1;
	[dreg:$0x2] =	wrdreg s3  }
0xa9: {  	[dreg:$0x3] =	wrdreg s5  }
0xaa: {  	[dreg:$0x4] =	wrdreg $0xC0  }
0xab: {  	_ =	task [dreg:s7], $0x5FFFF  }
0xac: {  	[dreg:$0x1] =	wrdreg $0xFFFFFFFF  }
0xad: {  	[dreg:$0x0] =	wrdreg $0x60  }
0xae: {  	[dreg:$0x2] =	wrdreg s24  }
0xaf: {  	[dreg:$0x3] =	wrdreg s2  }
0xb0: {  	[dreg:$0x4] =	wrdreg $0x90000  }
0xb1: {  	[dreg:$0x5] =	wrdreg $0x9  }
0xb2: {  	_ =	task.clear_ibuf [dreg:s7], $0x6FFFF;
	_ =	strace $0x9000004C  }
0xb3: {  	s29 =	simm.s32 $0x9;
	_ =	strace $0x8000004E  }
0xb4: {  	_ =	swait.ge [sflag:s29], $0x1  }
0xb5: {  	[sflag:s29] =	ssyncadd.s32 $0xFFFFFFFF  }
0xb6: {  	_ =	strace $0x9000004E  }
0xb7: {  	_ =	sfence  }
0xb8: {  	s30 =	sld [smem:$0x0];
	_ =	sdelay $0x2  }
0xb9: {  	s31 =	sshll.u32 s1, $0xD;
	s1 =	sshrl.u32 s1, $0x2  }
0xba: {  	s3 =	sand.u32 $0x4000, s31;
	s1 =	sadd.s32 s1, s30  }
0xbb: {  	s0 =	sor.u32 s3, s0;
	s1 =	sshll.u32 s1, $0x11  }
0xbc: {  	s0 =	sor.u32 s1, s0  }
0xbd: {  	s0 =	sadd.s32 $0x8F2B, s0  }
0xbe: {  	[sflag:s0] =	ssyncadd.remote.s32 $0x1  }
0xbf: {  	_ =	sfence.sel $0xFFFF  }
0xc0: {  	[dreg:$0x0] =	wrdreg $0xFFFFFFFF;
	(pc) =	sbr.abs _section_cstart, $3  }
0xc1: {  	[dreg:$0x1] =	wrdreg $0xFFFFFFFF  }
0xc2: {  	_ =	task.clear_ibuf [dreg:s7], $0x2FFFF;
	_ =	strace $0x9FFFFFFF  }
0xc3: {  	(tm) =	ssettm $0x7FFFFFFF  }
tec
execute0_lowered:
.L_overlay_start_1:
0x0: {  	(tag) =	ssettag $0x1  }
0x1: {  	s10 =	rddreg [dreg:$0x0]  }
0x2: {  	s2 =	rddreg [dreg:$0x1]  }
0x3: {  	s0 =	srdreg.scid;
	s3 =	rddreg [dreg:$0x2];
	s4 =	simm.s32 $0x0  }
0x4: {  	s18 =	simm.s32 $0x80;
	s9 =	sand.u32 $0x1, s0;
	s0 =	stileid.u32  }
0x5: {  	[smem:$0x7FF] =	sst s4;
	s5 =	sadd.s32 $0x20800, s10;
	s19 =	smul.u32 $0x2800, s0  }
0x6: {  	s20 =	sadd.s32 $0x70800, s10;
	s1 =	sshll.u32 s9, $0x4;
	s7 =	smul.u32 $0x50000, s0  }
0x7: {  	s30 =	ssub.s32 $0x2, s9;
	s31 =	sshll.u32 s0, $0x6;
	s1 =	sor.u32 s0, s1  }
0x8: {  	p0 =	seq.s32 s9, $0x1;
	s12 =	sshrl.u32 s30, $0x1;
	s6 =	smul.u32 $0x500, s1  }
0x9: {  	s1 =	rddreg [dreg:$0x3];
	_ =	strace $0x8000004D;
	s11 =	sadd.s32 s19, s10  }
0xa: {  	s7 =	sshrl.u32 s7, $0x2;
	s12 =	ssub.s32 s30, s12;
	s20 =	sadd.s32 @p0 s19, s20  }
0xb: {  	s19 =	simm.s32 $0x5000;
	s13 =	sadd.s32 s7, s3;
	s9 =	sadd.s32 $0x48800, s11  }
0xc: {  	s8 =	sadd.s32 s6, s10;
	s6 =	sor.u32 $0x1C01, s31;
	s14 =	sadd.s32 $0x4000, s13  }
0xd: {  	s15 =	sadd.s32 $0x8000, s13;
	s16 =	sadd.s32 $0xC000, s13;
	s17 =	sadd.s32 $0x10000, s13  }
0xe: {  	s10 =	smax.u32 s12, $0x1;
	s11 =	sshrl.u32 s13, $0x3;
	s12 =	simm.s32 $0x1  }
0xf: {  	s9 =	smov.u32 @p0 s20;
	s20 =	simm.s32 $0x0;
	s7 =	sadd.s32 $0x16800, s8  }
0x10: {  	s8 =	sadd.s32 $0xC800, s8;
	s13 =	sshrl.u32 s14, $0x3;
	s14 =	sshrl.u32 s15, $0x3  }
0x11: {  	s15 =	sshrl.u32 s16, $0x3;
	s16 =	sshrl.u32 s17, $0x3;
	s17 =	simm.s32 $0x2800  }
.LBB2_1:
0x12: {  	[spmem:s11], [sflag:s6] =	dma.local [hbm:s2], $0x800  }
0x13: {  	_ =	swait.ge [sflag:s12], $0x800  }
0x14: {  	[sflag:s12] =	ssyncset.done $0x0  }
0x15: {  	[sflag:s12] =	ssyncadd.s32 $0xFFFFF800  }
0x16: {  	[spmem:s13], [sflag:s6] =	dma.local [hbm:s2], $0x800  }
0x17: {  	_ =	swait.ge [sflag:s12], $0x800  }
0x18: {  	[sflag:s12] =	ssyncset.done $0x0  }
0x19: {  	[sflag:s12] =	ssyncadd.s32 $0xFFFFF800  }
0x1a: {  	[spmem:s14], [sflag:s6] =	dma.local [hbm:s2], $0x800  }
0x1b: {  	_ =	swait.ge [sflag:s12], $0x800  }
0x1c: {  	[sflag:s12] =	ssyncset.done $0x0  }
0x1d: {  	[sflag:s12] =	ssyncadd.s32 $0xFFFFF800  }
0x1e: {  	[spmem:s15], [sflag:s6] =	dma.local [hbm:s2], $0x800  }
0x1f: {  	_ =	swait.ge [sflag:s12], $0x800  }
0x20: {  	[sflag:s12] =	ssyncset.done $0x0  }
0x21: {  	[sflag:s12] =	ssyncadd.s32 $0xFFFFF800  }
0x22: {  	[spmem:s16], [sflag:s6] =	dma.local [hbm:s2], $0x800  }
0x23: {  	_ =	swait.ge [sflag:s12], $0x800  }
0x24: {  	[sflag:s12] =	ssyncset.done $0x0  }
0x25: {  	[sflag:s12] =	ssyncadd.s32 $0xFFFFF800  }
0x26: {  	[bflag:$0x0] =	sbarrier.arrive $0xFFFF  }
0x27: {  	[tilespmem:s4], [sflag:$0x1] =	stream.linear.gather [hbm4b:s7+s4], $0x2780, $0x38;
	[tilespmem:$0x1D000] =	vst v63  }
0x28: {  	_ =	swait.ge [sflag:s12], $0x2780  }
0x29: {  	[sflag:s12] =	ssyncset.done $0x0  }
0x2a: {  	[sflag:s12] =	ssyncadd.s32 $0xFFFFD880  }
0x2b: {  	[tilespmem:s17], [sflag:$0x1] =	stream.linear.gather [hbm4b:s8+s4], $0x2780, $0x38;
	[tilespmem:$0x1D000] =	vst v63  }
0x2c: {  	_ =	swait.ge [sflag:s12], $0x2780  }
0x2d: {  	[sflag:s12] =	ssyncset.done $0x0  }
0x2e: {  	s21 =	simm.s32 $0x0;
	[sflag:s12] =	ssyncadd.s32 $0xFFFFD880  }
0x2f: {  	[tilespmem:s19], [sflag:$0x1] =	stream.indirect.gather [hbm4b:s5+s18], $0x80, s21, s18, $0xb8;
	[tilespmem:$0x1D000] =	vst v63  }
0x30: {  	_ =	swait.ge [sflag:s12], $0x4000  }
0x31: {  	[sflag:s12] =	ssyncset.done $0x0  }
0x32: {  	s31 =	simm.s32 $0x2800;
	[sflag:s12] =	ssyncadd.s32 $0xFFFFC000  }
0x33: {  	[spmem:s3] =	stream.indirect.scatter.add.f32 [tilespmem:s19], [sflag:$0x1], $0x80, s31, s18, $0xb8;
	[tilespmem:$0x1D000] =	vst v63  }
0x34: {  	_ =	swait.ge [sflag:s12], $0x4000  }
0x35: {  	s22 =	simm.s32 $0x400;
	s21 =	simm.s32 $0x200;
	[sflag:s12] =	ssyncset.done $0x0  }
.LBB2_2:
0x36: {  	s23 =	sshra.s32 s21, $0x2  }
0x37: {  	[sflag:s12] =	ssyncadd.s32 $0xFFFFC000;
	s21 =	smov.u32 s22;
	s24 =	sadd.s32 $0x200, s22  }
0x38: {  	[tilespmem:s19], [sflag:$0x1] =	stream.indirect.gather [hbm4b:s5+s18], $0x80, s23, s18, $0xb8;
	[tilespmem:$0x1D000] =	vst v63  }
0x39: {  	p0 =	sne.s32 s22, $0x9C00;
	_ =	swait.ge [sflag:s12], $0x4000  }
.Ltmp0:
0x3a: {  	[sflag:s12] =	ssyncset.done $0x0;
	(pc) =	sbr.rel @p0 .LBB2_2-.Ltmp0, $4  }
0x3b: {  	s22 =	sadd.s32 $0x2800, s23;
	[sflag:s12] =	ssyncadd.s32 $0xFFFFC000  }
0x3c: {  	[spmem:s3] =	stream.indirect.scatter.add.f32 [tilespmem:s19], [sflag:$0x1], $0x80, s22, s18, $0xb8;
	[tilespmem:$0x1D000] =	vst v63  }
0x3d: {  	_ =	swait.ge [sflag:s12], $0x4000  }
0x3e: {  	s22 =	smov.u32 s24;
	[sflag:s12] =	ssyncset.done $0x0  }
0x3f: {  	s21 =	sshra.s32 s21, $0x2;
	[sflag:s12] =	ssyncadd.s32 $0xFFFFC000  }
0x40: {  	[tilespmem:s19], [sflag:$0x1] =	stream.indirect.gather [hbm4b:s5+s18], $0x80, s21, s18, $0xb8;
	[tilespmem:$0x1D000] =	vst v63  }
0x41: {  	_ =	swait.ge [sflag:s12], $0x4000  }
0x42: {  	[sflag:s12] =	ssyncset.done $0x0  }
0x43: {  	s21 =	sadd.s32 $0x2800, s21;
	[sflag:s12] =	ssyncadd.s32 $0xFFFFC000  }
0x44: {  	[spmem:s3] =	stream.indirect.scatter.add.f32 [tilespmem:s19], [sflag:$0x1], $0x80, s21, s18, $0xb8;
	[tilespmem:$0x1D000] =	vst v63  }
0x45: {  	_ =	swait.ge [sflag:s12], $0x4000  }
0x46: {  	s20 =	sadd.s32 $0x1, s20;
	[sflag:s12] =	ssyncset.done $0x0  }
0x47: {  	p0 =	sne.s32 s20, s10;
	[sflag:s12] =	ssyncadd.s32 $0xFFFFC000  }
.Ltmp1:
0x48: {  	[bflag:$0x0] =	sbarrier.arrive $0xFFFF;
	(pc) =	sbr.rel @p0 .LBB2_1-.Ltmp1, $4  }
0x49: {  	[hbm:s9], [sflag:s6] =	dma.local [spmem:s11], $0x2800  }
0x4a: {  	_ =	swait.ge [sflag:s12], $0x2800  }
0x4b: {  	[sflag:s12] =	ssyncset.done $0x0  }
0x4c: {  	[sflag:s12] =	ssyncadd.s32 $0xFFFFD800  }
0x4d: {  	_ =	sfence.sel $0x180000  }
0x4e: {  	[bflag:$0x0] =	sbarrier.arrive $0xFFFF  }
0x4f: {  	p0 =	sne.s32 s0, $0x0;
	_ =	strace $0x9000004D  }
0x50: {  	s0 =	sadd.s32 @!p0 $0x100000, s1;
	[bflag:$0x2] =	sbarrier.arrive $0xFFFF  }
0x51: {  	[sflag:s0] =	ssyncadd.tile.s32 @!p0 $0x1;
	_ =	shalt  }
.Lfunc_end2:
_tile_overlayer_lowered:
.L_overlay_start_2:
0x52: {  	(tag) =	ssettag $0x2  }
0x53: {  	s0 =	rddreg [dreg:$0x0];
	s2 =	stileid.u32  }
0x54: {  	s1 =	rddreg [dreg:$0x1];
	p0 =	sne.s32 s2, $0x0  }
0x55: {  	s3 =	rddreg [dreg:$0x2];
	[bflag:$0x3] =	sbarrier.arrive $0xFFFF;
	s2 =	simm.s32 @!p0 $0x1C01  }
0x56: {  	[timem:s3], [sflag:s2] =	dma.local @!p0 [hbm:s0], s1  }
0x57: {  	s0 =	simm.s32 @!p0 $0x1  }
0x58: {  	_ =	swait.ge @!p0 [sflag:s0], s1  }
0x59: {  	s1 =	ssub.s32 @!p0 $0x0, s1;
	[sflag:s0] =	ssyncset.done @!p0 $0x0  }
0x5a: {  	[sflag:s0] =	ssyncadd.s32 @!p0 s1  }
0x5b: {  	[bflag:$0x3] =	sbarrier.arrive $0xFFFF  }
0x5c: {  	_ =	shalt  }

// kernel: kernel.8.cloned.1.call-start
scs
__scs_entry_jumppad:
0x0: {  	(pc) =	sbr.rel $0x88, $3  }
0x1: {  	(tag) =	ssettag $0x0;
	lr =	simm.s32 $0x1  }
0x2: {  	[smem:$0x3F99] =	sst lr;
	_ =	strace $0xD0000000  }
0x3: {  	_ = 	snop  }
0x4: {  	_ = 	snop  }
0x5: {  	_ = 	snop  }
0x6: {  	_ = 	snop  }
0x7: {  	_ = 	snop  }
__scs_overlays_trampoline_lowered:
0x8: {  	[smem:$0x3FA8] =	sst s0  }
0x9: {  	[smem:$0x3FA9] =	sst s1  }
0xa: {  	[smem:$0x3FAA] =	sst s2  }
0xb: {  	[smem:$0x3FAB] =	sst s3  }
0xc: {  	[smem:$0x3FAC] =	sst s4  }
0xd: {  	[smem:$0x3FAD] =	sst s5  }
0xe: {  	[smem:$0x3FAE] =	sst s6  }
0xf: {  	[smem:$0x3FAF] =	sst s7  }
0x10: {  	[smem:$0x3FB0] =	sst s8  }
0x11: {  	[smem:$0x3FB1] =	sst s9;
	s0 =	simm.s32 @!p0 $0x0  }
0x12: {  	s1 =	sld [smem:$0x3F97];
	s0 =	simm.s32 @p0 $0x1  }
0x13: {  	[smem:$0x3FB2] =	sst s0;
	s0 =	simm.s32 @!p1 $0x0  }
0x14: {  	s2 =	sld [smem:$0x3F96];
	s0 =	simm.s32 @p1 $0x1  }
0x15: {  	[smem:$0x3FB3] =	sst s0;
	s0 =	simm.s32 @!p2 $0x0  }
0x16: {  	s3 =	sld [smem:$0x3FDB];
	s0 =	simm.s32 @p2 $0x1  }
0x17: {  	s4 =	simm.s32 $0x1BF5;
	[smem:$0x3FB5] =	sst s0  }
0x18: {  	s0 =	sld [smem:$0x3F98];
	_ =	swait.ge [sflag:s4], $0x0  }
0x19: {  	s7 =	sld [smem:$0x3F99]  }
0x1a: {  	s8 =	sadd.s32 $0xFFFFE003, lr  }
0x1b: {  	s9 =	sadd.s32 $0xFFFFFEF7, lr;
	s5 =	simm.s32 $0xFFFFFFFF;
	p2 =	slt.u32 s8, $0xFFFFF086  }
0x1c: {  	p1 =	slt.u32 s9, $0xF7A;
	s5 =	simm.s32 @!p2 $0x0  }
0x1d: {  	s5 =	simm.s32 @p1 $0x1;
	p0 =	seq.s32 s7, s2  }
0x1e: {  	s7 =	smul.u32 @!p0 $0xF7A, s2;
	p2 =	seq.s32 @!p0 s5, $0x0  }
0x1f: {  	s9 =	smul.u32 $0xF7A, s1;
	s8 =	simm.s32 @!p0 $0x1BF5;
	p2 =	por !p2, p0  }
0x20: {  	[sflag:s8] =	ssyncset.s32 @!p0 $0xFFFFF086;
	s6 =	sadd.s32 @!p0 s3, s7;
	s7 =	simm.s32 @!p0 $0x108  }
0x21: {  	s3 =	sadd.s32 s3, s9;
	s6 =	sadd.s32 @!p0 $0x88, s6;
	s7 =	simm.s32 @p2 $0x1082  }
0x22: {  	[simem:s7], [sflag:s8] =	dma.local @!p0 [hbm:s6], $0xF7A  }
0x23: {  	s9 =	sor.u32 $0xD0000000, s2;
	s6 =	simm.s32 $0x108;
	_ =	swait.ge @!p0 [sflag:s8], $0x0  }
0x24: {  	s3 =	sadd.s32 $0x88, s3;
	s6 =	simm.s32 @!p1 $0x1082;
	[sflag:s4] =	ssyncset.s32 $0xFFFFF086  }
0x25: {  	[simem:s6], [sflag:s4] =	dma.local [hbm:s3], $0xF7A  }
0x26: {  	[smem:$0x3F99] =	sst s1;
	(tag) =	ssettag s2;
	_ =	strace s9  }
0x27: {  	s1 =	sld [smem:$0x3FA9]  }
0x28: {  	s2 =	sld [smem:$0x3FAA]  }
0x29: {  	s4 =	sld [smem:$0x3FAC]  }
0x2a: {  	p0 =	seq.s32 s5, $0x0;
	s5 =	sld [smem:$0x3FAD]  }
0x2b: {  	s6 =	sld [smem:$0x3FAE]  }
0x2c: {  	s7 =	sld [smem:$0x3FAF]  }
0x2d: {  	s3 =	simm.s32 $0x108;
	s8 =	sld [smem:$0x3FB0]  }
0x2e: {  	s3 =	simm.s32 @!p0 $0x1082;
	s9 =	sld [smem:$0x3FB1]  }
0x2f: {  	lr =	sadd.s32 s0, s3;
	s0 =	sld [smem:$0x3FA8]  }
0x30: {  	s3 =	sld [smem:$0x3FAB]  }
0x31: {  	[smem:$0x3FB4] =	sst s10  }
0x32: {  	s10 =	sld [smem:$0x3FB2];
	_ =	sdelay $0x3  }
0x33: {  	p0 =	seq.s32 s10, $0x1;
	s10 =	sld [smem:$0x3FB4];
	_ =	sdelay $0x3  }
0x34: {  	[smem:$0x3FB4] =	sst s10  }
0x35: {  	s10 =	sld [smem:$0x3FB3];
	_ =	sdelay $0x3  }
0x36: {  	p1 =	seq.s32 s10, $0x1;
	s10 =	sld [smem:$0x3FB4];
	_ =	sdelay $0x3  }
0x37: {  	[smem:$0x3FB4] =	sst s10  }
0x38: {  	s10 =	sld [smem:$0x3FB5]  }
0x39: {  	_ = 	snop;
	(pc) =	sbr.ind lr, $3  }
0x3a: {  	_ = 	snop  }
0x3b: {  	_ = 	snop  }
0x3c: {  	p2 =	seq.s32 s10, $0x1;
	s10 =	sld [smem:$0x3FB4]  }
0x3d: {  	_ =	shalt  }
0x3e: {  	_ =	shalt  }
0x3f: {  	_ =	shalt  }
0x40: {  	_ =	shalt  }
0x41: {  	_ =	shalt  }
0x42: {  	_ =	shalt  }
0x43: {  	_ =	shalt  }
0x44: {  	_ =	shalt  }
0x45: {  	_ =	shalt  }
0x46: {  	_ =	shalt  }
0x47: {  	_ =	shalt  }
0x48: {  	_ =	shalt  }
0x49: {  	_ =	shalt  }
0x4a: {  	_ =	shalt  }
0x4b: {  	_ =	shalt  }
0x4c: {  	_ =	shalt  }
0x4d: {  	_ =	shalt  }
0x4e: {  	_ =	shalt  }
0x4f: {  	_ =	shalt  }
0x50: {  	_ =	shalt  }
0x51: {  	_ =	shalt  }
0x52: {  	_ =	shalt  }
0x53: {  	_ =	shalt  }
0x54: {  	_ =	shalt  }
0x55: {  	_ =	shalt  }
0x56: {  	_ =	shalt  }
0x57: {  	_ =	shalt  }
0x58: {  	_ =	shalt  }
0x59: {  	_ =	shalt  }
0x5a: {  	_ =	shalt  }
0x5b: {  	_ =	shalt  }
0x5c: {  	_ =	shalt  }
0x5d: {  	_ =	shalt  }
0x5e: {  	_ =	shalt  }
0x5f: {  	_ =	shalt  }
0x60: {  	_ =	shalt  }
0x61: {  	_ =	shalt  }
0x62: {  	_ =	shalt  }
0x63: {  	_ =	shalt  }
0x64: {  	_ =	shalt  }
0x65: {  	_ =	shalt  }
0x66: {  	_ =	shalt  }
0x67: {  	_ =	shalt  }
0x68: {  	_ =	shalt  }
0x69: {  	_ =	shalt  }
0x6a: {  	_ =	shalt  }
0x6b: {  	_ =	shalt  }
0x6c: {  	_ =	shalt  }
0x6d: {  	_ =	shalt  }
0x6e: {  	_ =	shalt  }
0x6f: {  	_ =	shalt  }
0x70: {  	_ =	shalt  }
0x71: {  	_ =	shalt  }
0x72: {  	_ =	shalt  }
0x73: {  	_ =	shalt  }
0x74: {  	_ =	shalt  }
0x75: {  	_ =	shalt  }
0x76: {  	_ =	shalt  }
0x77: {  	_ =	shalt  }
0x78: {  	_ =	shalt  }
0x79: {  	_ =	shalt  }
0x7a: {  	_ =	shalt  }
0x7b: {  	_ =	shalt  }
0x7c: {  	_ =	shalt  }
0x7d: {  	_ =	shalt  }
0x7e: {  	_ =	shalt  }
0x7f: {  	_ =	shalt  }
0x80: {  	_ =	shalt  }
0x81: {  	_ =	shalt  }
0x82: {  	_ =	shalt  }
0x83: {  	_ =	shalt  }
0x84: {  	_ =	shalt  }
0x85: {  	_ =	shalt  }
0x86: {  	_ =	shalt  }
0x87: {  	_ =	shalt  }
.Lfunc_end0:
.L_simem_size_0:
called_computation_lowered:
.L_overlay_start_0:
0x88: {  	s2 =	sld [smem:$0x3FD9]  }
0x89: {  	s3 =	sld [smem:$0x3FFE];
	_ =	sdelay $0x1  }
0x8a: {  	s1 =	srdreg.scid  }
0x8b: {  	s0 =	sand.u32 $0x1, s1  }
0x8c: {  	s17 =	sshll.u32 s0, $0xA;
	s2 =	sadd.s32 s3, s2  }
0x8d: {  	s2 =	sadd.s32 s2, s17  }
0x8e: {  	[smem:$0x3FC0] =	sst s2  }
0x8f: {  	_ = 	snop  }
0x90: {  	s2 =	sld [smem:$0x3FD0];
	(tm) =	ssettm $0x1  }
0x91: {  	s18 =	sld [smem:$0x3FFB];
	_ =	sdelay $0x3  }
0x92: {  	_ =	strace s18  }
0x93: {  	s3 =	sld [smem:$0x3FFC];
	_ =	sdelay $0x3  }
0x94: {  	_ =	strace s3  }
0x95: {  	s3 =	sld [smem:$0x3FFD];
	_ =	sdelay $0x3  }
0x96: {  	_ =	strace s3  }
0x97: {  	_ =	strace $0x8FFFFFFF  }
0x98: {  	s19 =	sld [smem:$0x3FDB];
	_ =	sdelay $0x1  }
0x99: {  	s4 =	simm.s32 $_scs_section_size  }
0x9a: {  	s5 =	simm.s32 $_size__tile_overlayer_lowered;
	s6 =	simm.s32 $_tile_overlayer_lowered  }
0x9b: {  	s22 =	simm.s32 $0x1BFF;
	s21 =	sshll.u32 s6, $0x1;
	s3 =	sadd.s32 s4, s19  }
0x9c: {  	s7 =	simm.s32 $0x0;
	s20 =	sshll.u32 s5, $0x1;
	s5 =	sadd.s32 s21, s3  }
0x9d: {  	[timem:s7], [sflag:s22] =	dma.local [hbm:s5], s20  }
0x9e: {  	_ =	swait.ge [sflag:s22], s20  }
0x9f: {  	s4 =	ssub.s32 $0x0, s20;
	[sflag:s22] =	ssyncset.done $0x0  }
0xa0: {  	[sflag:s22] =	ssyncadd.s32 s4;
	_ =	sdelay $0x1  }
0xa1: {  	s23 =	simm.s32 $0x1B8B  }
0xa2: {  	_ =	swait.ge [sflag:s23], $0x1  }
0xa3: {  	[sflag:s23] =	ssyncset.done $0x0  }
0xa4: {  	s25 =	simm.s32 $0x1B8E;
	s24 =	sld [smem:$0x3FFE];
	[sflag:s23] =	ssyncadd.s32 $0xFFFFFFFF  }
0xa5: {  	s26 =	simm.s32 $execute0_lowered;
	[smem:$0x3FD2] =	sst s25  }
0xa6: {  	s5 =	sshll.u32 s26, $0x1;
	_ =	strace $0x80000046;
	[dreg:$0x1] =	wrdreg $0xFFFFFFFF  }
0xa7: {  	s28 =	simm.s32 $_size_execute0_lowered;
	s3 =	sadd.s32 s3, s5;
	[dreg:$0x0] =	wrdreg $0x0  }
0xa8: {  	s5 =	sshll.u32 s28, $0x1;
	[dreg:$0x2] =	wrdreg s3  }
0xa9: {  	[dreg:$0x3] =	wrdreg s5  }
0xaa: {  	[dreg:$0x4] =	wrdreg $0xC0  }
0xab: {  	_ =	task [dreg:s7], $0x5FFFF  }
0xac: {  	[dreg:$0x1] =	wrdreg $0xFFFFFFFF  }
0xad: {  	[dreg:$0x0] =	wrdreg $0x60  }
0xae: {  	[dreg:$0x2] =	wrdreg s24  }
0xaf: {  	[dreg:$0x3] =	wrdreg s2  }
0xb0: {  	[dreg:$0x4] =	wrdreg $0x78800  }
0xb1: {  	[dreg:$0x5] =	wrdreg $0x9  }
0xb2: {  	_ =	task.clear_ibuf [dreg:s7], $0x6FFFF;
	_ =	strace $0x90000046  }
0xb3: {  	s29 =	simm.s32 $0x9;
	_ =	strace $0x80000048  }
0xb4: {  	_ =	swait.ge [sflag:s29], $0x1  }
0xb5: {  	[sflag:s29] =	ssyncadd.s32 $0xFFFFFFFF  }
0xb6: {  	_ =	strace $0x90000048  }
0xb7: {  	_ =	sfence  }
0xb8: {  	s30 =	sld [smem:$0x0];
	_ =	sdelay $0x2  }
0xb9: {  	s31 =	sshll.u32 s1, $0xD;
	s1 =	sshrl.u32 s1, $0x2  }
0xba: {  	s3 =	sand.u32 $0x4000, s31;
	s1 =	sadd.s32 s1, s30  }
0xbb: {  	s0 =	sor.u32 s3, s0;
	s1 =	sshll.u32 s1, $0x11  }
0xbc: {  	s0 =	sor.u32 s1, s0  }
0xbd: {  	s0 =	sadd.s32 $0x8F2B, s0  }
0xbe: {  	[sflag:s0] =	ssyncadd.remote.s32 $0x1  }
0xbf: {  	_ =	sfence.sel $0xFFFF  }
0xc0: {  	[dreg:$0x0] =	wrdreg $0xFFFFFFFF;
	(pc) =	sbr.abs _section_cstart, $3  }
0xc1: {  	[dreg:$0x1] =	wrdreg $0xFFFFFFFF  }
0xc2: {  	_ =	task.clear_ibuf [dreg:s7], $0x2FFFF;
	_ =	strace $0x9FFFFFFF  }
0xc3: {  	(tm) =	ssettm $0x7FFFFFFF  }
tec
execute0_lowered:
.L_overlay_start_1:
0x0: {  	(tag) =	ssettag $0x1  }
0x1: {  	s6 =	rddreg [dreg:$0x0]  }
0x2: {  	s1 =	rddreg [dreg:$0x1]  }
0x3: {  	s3 =	rddreg [dreg:$0x2]  }
0x4: {  	s0 =	rddreg [dreg:$0x3];
	s4 =	simm.s32 $0x0  }
0x5: {  	s2 =	stileid.u32;
	s5 =	srdreg.scid;
	s16 =	simm.s32 $0x0  }
0x6: {  	[smem:$0x7FF] =	sst s4;
	s7 =	smul.u32 $0xA00, s2;
	s8 =	sand.u32 $0x1, s5  }
0x7: {  	s5 =	sadd.s32 $0xC000, s6;
	s31 =	sshll.u32 s2, $0x6;
	_ =	strace $0x80000047  }
0x8: {  	s10 =	ssub.s32 $0x2, s8;
	s14 =	sor.u32 s2, s8;
	s9 =	sadd.s32 s7, s6  }
0x9: {  	s6 =	sadd.s32 $0xC200, s6;
	s11 =	sshrl.u32 s10, $0x1;
	s12 =	sshrl.u32 s7, $0x2  }
0xa: {  	p0 =	sne.s32 s14, $0x0;
	s14 =	simm.s32 $0x50;
	s10 =	ssub.s32 s10, s11  }
0xb: {  	s7 =	sadd.s32 $0x2000, s9;
	s13 =	sadd.s32 s12, s3;
	s9 =	simm.s32 $0x1  }
0xc: {  	s11 =	simm.s32 $0x5000;
	s12 =	sor.u32 $0x1C01, s31;
	s15 =	sshrl.u32 @!p0 s3, $0x3  }
0xd: {  	v0 =	vimm.f32 $1.000000000e+00;
	s8 =	smax.u32 s10, $0x1;
	s10 =	simm.s32 $0x7800;
	s13 =	sshrl.u32 s13, $0x3  }
.LBB2_1:
0xe: {  	[tilespmem:s4], [sflag:$0x1] =	stream.linear.gather [hbm4b:s7+s4], $0x4F00, $0x38;
	[tilespmem:$0x7B00] =	vst v63  }
0xf: {  	_ =	swait.ge [sflag:s9], $0x4F00  }
0x10: {  	[sflag:s9] =	ssyncset.done $0x0  }
0x11: {  	[sflag:s9] =	ssyncadd.s32 $0xFFFFB100  }
0x12: {  	[tilespmem:s10], [sflag:$0x1] =	stream.linear.gather [hbm4b:s5+s4], $0x80, $0x38;
	[tilespmem:$0x7B00] =	vst v63  }
0x13: {  	_ =	swait.ge [sflag:s9], $0x80  }
0x14: {  	[sflag:s9] =	ssyncset.done $0x0  }
0x15: {  	[sflag:s9] =	ssyncadd.s32 $0xFFFFFF80  }
0x16: {  	[tilespmem:s11], [sflag:$0x1] =	stream.linear.gather [hbm4b:s1+s4], $0x2800, $0x38;
	[tilespmem:$0x7B00] =	vst v63  }
0x17: {  	_ =	swait.ge [sflag:s9], $0x2800  }
0x18: {  	[sflag:s9] =	ssyncset.done $0x0  }
0x19: {  	[sflag:s9] =	ssyncadd.s32 $0xFFFFD800  }
0x1a: {  	[spmem:s13], [sflag:s12] =	dma.local [hbm:s1], $0x50  }
0x1b: {  	_ =	swait.ge [sflag:s9], $0x50  }
0x1c: {  	[sflag:s9] =	ssyncset.done $0x0  }
0x1d: {  	[sflag:s9] =	ssyncadd.s32 $0xFFFFFFB0  }
0x1e: {  	s17 =	simm.s32 $0x0;
	[bflag:$0x0] =	sbarrier.arrive $0xFFFF  }
.LBB2_2:
0x1f: {  	s18 =	sshra.s32 s17, $0x2  }
0x20: {  	v1 =	vld [tilespmem:s18+$0x0];
	_ =	sdelay $0x7  }
0x21: {  	[tilespmem:v1+s11+$0x0] =	vst.idx.add.f32.msk $0xffff, v0  }
0x22: {  	v1 =	vld [tilespmem:s18+$0x10];
	_ =	sdelay $0x7  }
0x23: {  	[tilespmem:v1+s11+$0x0] =	vst.idx.add.f32.msk $0xffff, v0  }
0x24: {  	v1 =	vld [tilespmem:s18+$0x20];
	_ =	sdelay $0x7  }
0x25: {  	[tilespmem:v1+s11+$0x0] =	vst.idx.add.f32.msk $0xffff, v0  }
0x26: {  	v1 =	vld [tilespmem:s18+$0x30];
	_ =	sdelay $0x7  }
0x27: {  	[tilespmem:v1+s11+$0x0] =	vst.idx.add.f32.msk $0xffff, v0  }
0x28: {  	v1 =	vld [tilespmem:s18+$0x40];
	_ =	sdelay $0x7  }
0x29: {  	[tilespmem:v1+s11+$0x0] =	vst.idx.add.f32.msk $0xffff, v0  }
0x2a: {  	v1 =	vld [tilespmem:s18+$0x50];
	_ =	sdelay $0x7  }
0x2b: {  	[tilespmem:v1+s11+$0x0] =	vst.idx.add.f32.msk $0xffff, v0  }
0x2c: {  	v1 =	vld [tilespmem:s18+$0x60];
	_ =	sdelay $0x7  }
0x2d: {  	[tilespmem:v1+s11+$0x0] =	vst.idx.add.f32.msk $0xffff, v0  }
0x2e: {  	v1 =	vld [tilespmem:s18+$0x70];
	_ =	sdelay $0x2  }
0x2f: {  	p1 =	sne.s32 s17, $0x13A00  }
.Ltmp0:
0x30: {  	_ = 	snop;
	(pc) =	sbr.rel @p1 .LBB2_2-.Ltmp0, $2  }
0x31: {  	_ =	sdelay $0x2  }
0x32: {  	s17 =	sadd.s32 $0x200, s17;
	[tilespmem:v1+s11+$0x0] =	vst.idx.add.f32.msk $0xffff, v0  }
0x33: {  	[spmem:s3] =	stream.indirect.scatter.add.f32 [tilespmem:s11], [sflag:$0x1], $0x80, s10, s14, $0xb8;
	[tilespmem:$0x7B00] =	vst v63  }
0x34: {  	_ =	swait.ge [sflag:s9], $0x2800  }
0x35: {  	s16 =	sadd.s32 $0x1, s16;
	[sflag:s9] =	ssyncset.done $0x0  }
0x36: {  	p1 =	sne.s32 s16, s8;
	[sflag:s9] =	ssyncadd.s32 $0xFFFFD800  }
.Ltmp1:
0x37: {  	s17 =	simm.s32 @!p0 $0x1;
	[bflag:$0x0] =	sbarrier.arrive $0xFFFF;
	(pc) =	sbr.rel @p1 .LBB2_1-.Ltmp1, $4  }
0x38: {  	[hbm:s6], [sflag:s12] =	dma.local @!p0 [spmem:s15], $0x500  }
0x39: {  	_ =	swait.ge @!p0 [sflag:s17], $0x500  }
0x3a: {  	[sflag:s17] =	ssyncset.done @!p0 $0x0  }
0x3b: {  	[sflag:s17] =	ssyncadd.s32 @!p0 $0xFFFFFB00  }
0x3c: {  	_ =	sfence.sel $0x180000  }
0x3d: {  	[bflag:$0x0] =	sbarrier.arrive $0xFFFF  }
0x3e: {  	p0 =	sne.s32 s2, $0x0;
	_ =	strace $0x90000047  }
0x3f: {  	s0 =	sadd.s32 @!p0 $0x100000, s0;
	[bflag:$0x2] =	sbarrier.arrive $0xFFFF  }
0x40: {  	[sflag:s0] =	ssyncadd.tile.s32 @!p0 $0x1;
	_ =	shalt  }
.Lfunc_end2:
_tile_overlayer_lowered:
.L_overlay_start_2:
0x41: {  	(tag) =	ssettag $0x2  }
0x42: {  	s0 =	rddreg [dreg:$0x0];
	s2 =	stileid.u32  }
0x43: {  	s1 =	rddreg [dreg:$0x1];
	p0 =	sne.s32 s2, $0x0  }
0x44: {  	s3 =	rddreg [dreg:$0x2];
	[bflag:$0x3] =	sbarrier.arrive $0xFFFF;
	s2 =	simm.s32 @!p0 $0x1C01  }
0x45: {  	[timem:s3], [sflag:s2] =	dma.local @!p0 [hbm:s0], s1  }
0x46: {  	s0 =	simm.s32 @!p0 $0x1  }
0x47: {  	_ =	swait.ge @!p0 [sflag:s0], s1  }
0x48: {  	s1 =	ssub.s32 @!p0 $0x0, s1;
	[sflag:s0] =	ssyncset.done @!p0 $0x0  }
0x49: {  	[sflag:s0] =	ssyncadd.s32 @!p0 s1  }
0x4a: {  	[bflag:$0x3] =	sbarrier.arrive $0xFFFF  }
0x4b: {  	_ =	shalt  }

</sc_bundles>
